<compile_context>
chip_gen: v7x
topology: tpu7x:2x2x1
jax: 0.10.2.dev20260603
libtpu: 0.0.44.dev20260713+nightly
codegen_flags: <defaults>
</compile_context>

<pallas_src>
import functools

import jax
import jax.numpy as jnp
from jax import lax
from jax.experimental import pallas as pl
from jax.experimental.pallas import tpu as pltpu
from jax.experimental.pallas import tpu_sc as plsc

B = 4096
F = 26
V = 1000
D = 16
H1, H2 = 64, 32
EPS = 1e-5

NC = 2
NS = 16
NW = NC * NS
E_PER_W = (B * F) // NW
CH = E_PER_W // 128


def _sc_gather(idx2d_hbm, x_hbm, wtab_hbm, emb_hbm,
               rows_out, ylin_out,
               idx_v, rows_v, xv2, yv, wtab, sem, sem_out):
    wid = lax.axis_index("s") * NC + lax.axis_index("c")

    pltpu.sync_copy(idx2d_hbm.at[wid], idx_v)

    def fire(j, c):
        pltpu.async_copy(emb_hbm.at[idx_v.at[j]],
                         rows_v.at[pl.ds(j * 128, 128)], sem)
        return c
    lax.fori_loop(0, CH, fire, 0)

    pltpu.sync_copy(x_hbm.at[pl.ds(wid * 128, 128)], xv2)
    pltpu.sync_copy(wtab_hbm.at[pl.ds(0, V)], wtab)

    lane16 = lax.broadcasted_iota(jnp.int32, (16,), 0)

    def chunk(c, acc):
        bvec = c * 16 + lane16
        xf = [plsc.load_gather(xv2, [bvec, jnp.full((16,), f, jnp.int32)])
              for f in range(F)]
        y = plsc.load_gather(wtab, [xf[0]])
        for f in range(1, F):
            dup = xf[f] == xf[0]
            for f2 in range(1, f):
                dup = dup | (xf[f] == xf[f2])
            wv = plsc.load_gather(wtab, [xf[f]])
            y = y + jnp.where(dup, 0.0, wv)
        yv[pl.ds(c * 16, 16)] = y
        return acc
    lax.fori_loop(0, 128 // 16, chunk, 0)
    pltpu.sync_copy(yv, ylin_out.at[wid])

    def drain(j, c):
        pltpu.make_async_copy(emb_hbm.at[idx_v.at[j]],
                              rows_v.at[pl.ds(j * 128, 128)], sem).wait()
        pltpu.async_copy(rows_v.at[pl.ds(j * 128, 128)],
                         rows_out.at[pl.ds(wid * E_PER_W + j * 128, 128)],
                         sem_out)
        return c
    lax.fori_loop(0, CH, drain, 0)

    def drain_out(j, c):
        pltpu.make_async_copy(
            rows_v.at[pl.ds(j * 128, 128)],
            rows_out.at[pl.ds(wid * E_PER_W + j * 128, 128)], sem_out).wait()
        return c
    lax.fori_loop(0, CH, drain_out, 0)


TILE = 256
NT = B // TILE


def _tc_body(dense_ref, ylin_ref, C1_ref, b1_ref, g1_ref, be1_ref,
             W2T_ref, b2_ref, g2_ref, be2_ref, W3T_ref, bsum_ref, out_ref,
             h1_s, h2_s, yp_s):
    f32 = jnp.float32

    y_lin32 = ylin_ref[...]

    C1 = C1_ref[...]
    NR = TILE // 128

    def pass1(t, carry):
        s1, q1 = carry
        d = dense_ref[pl.ds(t * TILE, TILE), :]
        h1s = lax.dot(d, C1)
        h1 = h1s[:, :H1] + b1_ref[...]
        s = h1s[:, H1:]
        h1_s[pl.ds(t * TILE, TILE), :] = h1
        y_pair = 0.5 * (jnp.sum(s * s, axis=1, keepdims=True)
                        - jnp.sum(d * d, axis=1, keepdims=True))
        rsel = (lax.broadcasted_iota(jnp.int32, (TILE, B // 128), 1)
                == NR * t + lax.broadcasted_iota(jnp.int32, (TILE, B // 128), 0)
                // 128).astype(f32)
        rows128 = lax.dot(rsel, y_lin32)
        lmask = (lax.broadcasted_iota(jnp.int32, (TILE, 128), 1)
                 == lax.broadcasted_iota(jnp.int32, (TILE, 128), 0) % 128)
        y_lin = jnp.sum(jnp.where(lmask, rows128, 0.0), axis=1, keepdims=True)
        yp_s[pl.ds(t * TILE, TILE), :] = y_pair + y_lin + bsum_ref[...]
        return (s1 + jnp.sum(h1, axis=0, keepdims=True),
                q1 + jnp.sum(h1 * h1, axis=0, keepdims=True))

    z1 = jnp.zeros((1, H1), f32)
    s1, q1 = lax.fori_loop(0, NT, pass1, (z1, z1))
    mu1 = s1 / B
    var1 = q1 / B - mu1 * mu1
    sc1 = lax.rsqrt(var1 + EPS) * g1_ref[...]
    sh1 = be1_ref[...] - mu1 * sc1

    W2T = W2T_ref[...]

    def pass2(t, carry):
        s2, q2 = carry
        h1 = h1_s[pl.ds(t * TILE, TILE), :]
        a1 = jnp.maximum(h1 * sc1 + sh1, 0.0)
        h2 = lax.dot(a1, W2T) + b2_ref[...]
        h2_s[pl.ds(t * TILE, TILE), :] = h2
        return (s2 + jnp.sum(h2, axis=0, keepdims=True),
                q2 + jnp.sum(h2 * h2, axis=0, keepdims=True))

    z2 = jnp.zeros((1, H2), f32)
    s2, q2 = lax.fori_loop(0, NT, pass2, (z2, z2))
    mu2 = s2 / B
    var2 = q2 / B - mu2 * mu2
    sc2 = lax.rsqrt(var2 + EPS) * g2_ref[...]
    sh2 = be2_ref[...] - mu2 * sc2

    W3T = W3T_ref[...]

    def pass3(t, c):
        h2 = h2_s[pl.ds(t * TILE, TILE), :]
        a2 = jnp.maximum(h2 * sc2 + sh2, 0.0)
        y_dnn = lax.dot(a2, W3T)
        out_ref[pl.ds(t * TILE, TILE), :] = yp_s[pl.ds(t * TILE, TILE), :] + y_dnn
        return c

    lax.fori_loop(0, NT, pass3, 0)


def kernel(x, emb, w_lin, b_lin, W1, b1, g1, be1, W2, b2, g2, be2, W3, b3):
    wtab = w_lin.reshape(-1)
    emb_flat = emb.reshape(F * V, D)

    mesh = plsc.VectorSubcoreMesh(core_axis_name="c", subcore_axis_name="s")
    sc = functools.partial(
        pl.kernel,
        mesh=mesh,
        compiler_params=pltpu.CompilerParams(
            needs_layout_passes=False, use_tc_tiling_on_sc=False),
        out_type=(
            jax.ShapeDtypeStruct((B * F, D), jnp.float32),
            jax.ShapeDtypeStruct((NW, 128), jnp.float32),
        ),
        scratch_types=[
            pltpu.VMEM((CH, 128), jnp.int32),
            pltpu.VMEM((E_PER_W, D), jnp.float32),
            pltpu.VMEM((128, F), jnp.int32),
            pltpu.VMEM((128,), jnp.float32),
            pltpu.VMEM((V,), jnp.float32),
            pltpu.SemaphoreType.DMA,
            pltpu.SemaphoreType.DMA,
        ],
    )(_sc_gather)
    flat_idx = (x + jnp.arange(F, dtype=jnp.int32)[None, :] * V)
    rows, ylin32 = sc(flat_idx.reshape(NW, CH, 128), x, wtab, emb_flat)
    dense = rows.reshape(B, F * D)

    bsum = (b_lin + b3).reshape(1, 1)

    ii = jnp.arange(F * D, dtype=jnp.int32)[:, None]
    jj = jnp.arange(D, dtype=jnp.int32)[None, :]
    S = (ii % D == jj).astype(jnp.float32)
    C1 = jnp.concatenate([W1.T, S], axis=1)

    out = pl.pallas_call(
        _tc_body,
        out_shape=jax.ShapeDtypeStruct((B, 1), jnp.float32),
        scratch_shapes=[
            pltpu.VMEM((B, H1), jnp.float32),
            pltpu.VMEM((B, H2), jnp.float32),
            pltpu.VMEM((B, 1), jnp.float32),
        ],
    )(dense, ylin32,
      C1, b1.reshape(1, H1), g1.reshape(1, H1), be1.reshape(1, H1),
      W2.T, b2.reshape(1, H2), g2.reshape(1, H2), be2.reshape(1, H2),
      W3.T, bsum)
    return out.reshape(B)

# --- scband reference (transcript-rebuilt; emitter-appended) ---
"""Pipeline reference for scband-deep-fmmachine-model-15401752724115 (READ-ONLY COPY).

The authoritative reference and input builder live on the scoring server;
editing this copy changes nothing except your own understanding.
"""

import jax, jax.numpy as jnp
import numpy as np

B = 4096
F = 26
V = 1000
D = 16
INPUT_DIM = F * V
H1, H2 = 64, 32
EPS = 1e-5


def setup_inputs(seed: int = 0):
    key = jax.random.key(seed)
    ks = jax.random.split(key, 8)
    x = jax.random.randint(ks[0], (B, F), 0, V, dtype=jnp.int32)
    limit = float(np.sqrt(6.0 / (V + D)))
    emb = jax.random.uniform(ks[1], (F, V, D), jnp.float32, -limit, limit)
    w_lin = jax.random.normal(ks[2], (1, INPUT_DIM), jnp.float32) * 0.01
    b_lin = jnp.zeros((1,), jnp.float32)
    W1 = jax.random.normal(ks[3], (H1, F * D), jnp.float32) * 0.05
    b1 = jnp.zeros((H1,), jnp.float32)
    g1 = jnp.ones((H1,), jnp.float32)
    be1 = jnp.zeros((H1,), jnp.float32)
    W2 = jax.random.normal(ks[4], (H2, H1), jnp.float32) * 0.05
    b2 = jnp.zeros((H2,), jnp.float32)
    g2 = jnp.ones((H2,), jnp.float32)
    be2 = jnp.zeros((H2,), jnp.float32)
    W3 = jax.random.normal(ks[5], (1, H2), jnp.float32) * 0.05
    b3 = jnp.zeros((1,), jnp.float32)
    return {"x": x, "emb": emb, "w_lin": w_lin, "b_lin": b_lin, "W1": W1, "b1": b1, "g1": g1, "be1": be1, "W2": W2, "b2": b2, "g2": g2, "be2": be2, "W3": W3, "b3": b3}


def _batchnorm(h, g, be):
    mu = jnp.mean(h, axis=0)
    var = jnp.mean((h - mu) ** 2, axis=0)
    return (h - mu) / jnp.sqrt(var + EPS) * g + be


def reference(x, emb, w_lin, b_lin, W1, b1, g1, be1, W2, b2, g2, be2, W3, b3):
    n = x.shape[0]
    # one-hot scatter: sparse_x[b, x[b, f]] = 1.0  (matches torch scatter_(1, x, 1.0))
    sparse_x = jnp.zeros((n, INPUT_DIM), jnp.float32).at[jnp.arange(n)[:, None], x].set(1.0)
    # per-field embedding lookup: dense[b, f, :] = emb[f, x[b, f], :]
    dense = emb[jnp.arange(F)[None, :], x, :]
    # FM layer
    y_linear = sparse_x @ w_lin.T + b_lin
    square_of_sum = jnp.sum(dense, axis=1) ** 2
    sum_of_square = jnp.sum(dense ** 2, axis=1)
    y_pairwise = 0.5 * jnp.sum(square_of_sum - sum_of_square, axis=1)
    y_fm = y_linear[:, 0] + y_pairwise
    # DNN (training-mode BatchNorm1d, dropout p=0 is identity)
    h = dense.reshape(n, F * D)
    h = h @ W1.T + b1
    h = jax.nn.relu(_batchnorm(h, g1, be1))
    h = h @ W2.T + b2
    h = jax.nn.relu(_batchnorm(h, g2, be2))
    y_dnn = h @ W3.T + b3
    return y_fm + y_dnn[:, 0]

if __name__ == "__main__":
    import jax
    _d = setup_inputs()
    print(jax.jit(kernel)(*tuple(_d.values())))

</pallas_src>

<mosaic_0001>
#map = affine_map<(d0, d1) -> (0, 0, 0)>
#map1 = affine_map<(d0, d1) -> (0, 0)>
#map2 = affine_map<(d0, d1) -> (0)>
module attributes {stable_mosaic.version = 14 : i64} {
  func.func @_sc_gather(%arg0: i32, %arg1: i32, %arg2: memref<32x26x128xi32, #tpu.memory_space<hbm>>, %arg3: memref<4096x26xi32, #tpu.memory_space<hbm>>, %arg4: memref<26000xf32, #tpu.memory_space<hbm>>, %arg5: memref<26000x16xf32, #tpu.memory_space<hbm>>, %arg6: memref<106496x16xf32, #tpu.memory_space<hbm>>, %arg7: memref<32x128xf32, #tpu.memory_space<hbm>>, %arg8: memref<26x128xi32, #tpu.memory_space<vmem>>, %arg9: memref<3328x16xf32, #tpu.memory_space<vmem>>, %arg10: memref<128x26xi32, #tpu.memory_space<vmem>>, %arg11: memref<128xf32, #tpu.memory_space<vmem>>, %arg12: memref<1000xf32, #tpu.memory_space<vmem>>, %arg13: memref<!tpu.dma_semaphore, #tpu.memory_space<semaphore_mem>>, %arg14: memref<!tpu.dma_semaphore, #tpu.memory_space<semaphore_mem>>) attributes {dimension_semantics = [#tpu.dimension_semantics<core_parallel>, #tpu.dimension_semantics<subcore_parallel>], iteration_bounds = array<i64: 2, 16>, scalar_prefetch = 0 : i64, scratch_operands = 7 : i64, tpu.core_type = #tpu.core_type<sc_vector_subcore>, window_params = [{transform_indices = #map}, {transform_indices = #map1}, {transform_indices = #map2}, {transform_indices = #map1}, {transform_indices = #map1}, {transform_indices = #map1}]} {
    %mul3A = arith.constant 2 : i32
    %mul3A_0 = arith.muli %arg1, %mul3A : i32
    %add3A = arith.addi %mul3A_0, %arg0 : i32
    "tpu.region"() ({
      %run_scoped3A = tpu.sem_alloc : memref<!tpu.dma_semaphore, #tpu.memory_space<semaphore_mem>>
      %dma_start3A = arith.constant 0 : i32
      %dma_start3A_26 = arith.constant 0 : i32
      %dma_start3A_27 = tpu.memref_slice %arg2[%add3A, %dma_start3A, %dma_start3A_26] : memref<32x26x128xi32, #tpu.memory_space<hbm>> -> memref<1x26x128xi32, #tpu.memory_space<hbm>>
      %dma_start3A_28 = tpu.memref_squeeze %dma_start3A_27 : memref<1x26x128xi32, #tpu.memory_space<hbm>> -> memref<26x128xi32, #tpu.memory_space<hbm>>
      %dma_start3A_29 = arith.constant 0 : i32
      %dma_start3A_30 = arith.constant 0 : i32
      %dma_start3A_31 = tpu.memref_slice %arg2[%add3A, %dma_start3A_29, %dma_start3A_30] : memref<32x26x128xi32, #tpu.memory_space<hbm>> -> memref<1x26x128xi32, #tpu.memory_space<hbm>>
      %dma_start3A_32 = tpu.memref_squeeze %dma_start3A_31 : memref<1x26x128xi32, #tpu.memory_space<hbm>> -> memref<26x128xi32, #tpu.memory_space<hbm>>
      tpu.enqueue_dma source(%dma_start3A_32 : memref<26x128xi32, #tpu.memory_space<hbm>>) target(%arg8 : memref<26x128xi32, #tpu.memory_space<vmem>>) target_semaphore(%run_scoped3A : memref<!tpu.dma_semaphore, #tpu.memory_space<semaphore_mem>>)
      %dma_wait3A = arith.constant 0 : i32
      %dma_wait3A_33 = arith.constant 0 : i32
      %dma_wait3A_34 = tpu.memref_slice %arg2[%add3A, %dma_wait3A, %dma_wait3A_33] : memref<32x26x128xi32, #tpu.memory_space<hbm>> -> memref<1x26x128xi32, #tpu.memory_space<hbm>>
      %dma_wait3A_35 = tpu.memref_squeeze %dma_wait3A_34 : memref<1x26x128xi32, #tpu.memory_space<hbm>> -> memref<26x128xi32, #tpu.memory_space<hbm>>
      %dma_wait3A_36 = arith.constant 0 : i32
      %dma_wait3A_37 = arith.constant 0 : i32
      %dma_wait3A_38 = tpu.memref_slice %arg2[%add3A, %dma_wait3A_36, %dma_wait3A_37] : memref<32x26x128xi32, #tpu.memory_space<hbm>> -> memref<1x26x128xi32, #tpu.memory_space<hbm>>
      %dma_wait3A_39 = tpu.memref_squeeze %dma_wait3A_38 : memref<1x26x128xi32, #tpu.memory_space<hbm>> -> memref<26x128xi32, #tpu.memory_space<hbm>>
      tpu.wait_dma2 semaphore(%run_scoped3A : memref<!tpu.dma_semaphore, #tpu.memory_space<semaphore_mem>>) src(%dma_wait3A_39 : memref<26x128xi32, #tpu.memory_space<hbm>>) dst(%arg8 : memref<26x128xi32, #tpu.memory_space<vmem>>)
      tpu.yield
    }) : () -> ()
    %scan3A = arith.constant 0 : i32
    %scan3A_1 = arith.constant 0 : i32
    %scan3A_2 = arith.constant 26 : i32
    %scan3A_3 = arith.addi %scan3A_1, %scan3A_2 : i32
    %scan3A_4 = arith.constant 1 : i32
    scf.for %scan3A_26 = %scan3A_1 to %scan3A_3 step %scan3A_4  : i32 {
      %mul3A_27 = arith.constant 128 : i32
      %mul3A_28 = arith.muli %scan3A_26, %mul3A_27 : i32
      %dma_start3A = arith.constant 0 : i32
      %dma_start3A_29 = tpu.memref_slice %arg9[%mul3A_28, %dma_start3A] : memref<3328x16xf32, #tpu.memory_space<vmem>> -> memref<128x16xf32, #tpu.memory_space<vmem>>
      %dma_start3A_30 = arith.constant 0 : i32
      %dma_start3A_31 = tpu.memref_slice %arg8[%scan3A_26, %dma_start3A_30] : memref<26x128xi32, #tpu.memory_space<vmem>> -> memref<1x128xi32, #tpu.memory_space<vmem>>
      %dma_start3A_32 = tpu.memref_squeeze %dma_start3A_31 : memref<1x128xi32, #tpu.memory_space<vmem>> -> memref<128xi32, #tpu.memory_space<vmem>>
      %dma_start3A_33 = arith.constant 0 : i32
      %dma_start3A_34 = arith.constant 0 : i32
      %dma_start3A_35 = tpu.memref_slice %arg5[%dma_start3A_33, %dma_start3A_34] : memref<26000x16xf32, #tpu.memory_space<hbm>> -> memref<26000x16xf32, #tpu.memory_space<hbm>>
      tpu.enqueue_indirect_dma source(%dma_start3A_35 : memref<26000x16xf32, #tpu.memory_space<hbm>>) target(%dma_start3A_29 : memref<128x16xf32, #tpu.memory_space<vmem>>) offsets(%dma_start3A_32 : memref<128xi32, #tpu.memory_space<vmem>>) semaphore(%arg13 : memref<!tpu.dma_semaphore, #tpu.memory_space<semaphore_mem>>)
    }
    %scan3A_5 = arith.constant 26 : i32
    %mul3A_6 = arith.constant 128 : i32
    %mul3A_7 = arith.muli %add3A, %mul3A_6 : i32
    "tpu.region"() ({
      %run_scoped3A = tpu.sem_alloc : memref<!tpu.dma_semaphore, #tpu.memory_space<semaphore_mem>>
      %dma_start3A = arith.constant 0 : i32
      %dma_start3A_26 = tpu.memref_slice %arg3[%mul3A_7, %dma_start3A] : memref<4096x26xi32, #tpu.memory_space<hbm>> -> memref<128x26xi32, #tpu.memory_space<hbm>>
      %dma_start3A_27 = arith.constant 0 : i32
      %dma_start3A_28 = tpu.memref_slice %arg3[%mul3A_7, %dma_start3A_27] : memref<4096x26xi32, #tpu.memory_space<hbm>> -> memref<128x26xi32, #tpu.memory_space<hbm>>
      tpu.enqueue_dma source(%dma_start3A_28 : memref<128x26xi32, #tpu.memory_space<hbm>>) target(%arg10 : memref<128x26xi32, #tpu.memory_space<vmem>>) target_semaphore(%run_scoped3A : memref<!tpu.dma_semaphore, #tpu.memory_space<semaphore_mem>>)
      %dma_wait3A = arith.constant 0 : i32
      %dma_wait3A_29 = tpu.memref_slice %arg3[%mul3A_7, %dma_wait3A] : memref<4096x26xi32, #tpu.memory_space<hbm>> -> memref<128x26xi32, #tpu.memory_space<hbm>>
      %dma_wait3A_30 = arith.constant 0 : i32
      %dma_wait3A_31 = tpu.memref_slice %arg3[%mul3A_7, %dma_wait3A_30] : memref<4096x26xi32, #tpu.memory_space<hbm>> -> memref<128x26xi32, #tpu.memory_space<hbm>>
      tpu.wait_dma2 semaphore(%run_scoped3A : memref<!tpu.dma_semaphore, #tpu.memory_space<semaphore_mem>>) src(%dma_wait3A_31 : memref<128x26xi32, #tpu.memory_space<hbm>>) dst(%arg10 : memref<128x26xi32, #tpu.memory_space<vmem>>)
      tpu.yield
    }) : () -> ()
    "tpu.region"() ({
      %run_scoped3A = tpu.sem_alloc : memref<!tpu.dma_semaphore, #tpu.memory_space<semaphore_mem>>
      %dma_start3A = arith.constant 0 : i32
      %dma_start3A_26 = tpu.memref_slice %arg4[%dma_start3A] : memref<26000xf32, #tpu.memory_space<hbm>> -> memref<1000xf32, #tpu.memory_space<hbm>>
      %dma_start3A_27 = arith.constant 0 : i32
      %dma_start3A_28 = tpu.memref_slice %arg4[%dma_start3A_27] : memref<26000xf32, #tpu.memory_space<hbm>> -> memref<1000xf32, #tpu.memory_space<hbm>>
      tpu.enqueue_dma source(%dma_start3A_28 : memref<1000xf32, #tpu.memory_space<hbm>>) target(%arg12 : memref<1000xf32, #tpu.memory_space<vmem>>) target_semaphore(%run_scoped3A : memref<!tpu.dma_semaphore, #tpu.memory_space<semaphore_mem>>)
      %dma_wait3A = arith.constant 0 : i32
      %dma_wait3A_29 = tpu.memref_slice %arg4[%dma_wait3A] : memref<26000xf32, #tpu.memory_space<hbm>> -> memref<1000xf32, #tpu.memory_space<hbm>>
      %dma_wait3A_30 = arith.constant 0 : i32
      %dma_wait3A_31 = tpu.memref_slice %arg4[%dma_wait3A_30] : memref<26000xf32, #tpu.memory_space<hbm>> -> memref<1000xf32, #tpu.memory_space<hbm>>
      tpu.wait_dma2 semaphore(%run_scoped3A : memref<!tpu.dma_semaphore, #tpu.memory_space<semaphore_mem>>) src(%dma_wait3A_31 : memref<1000xf32, #tpu.memory_space<hbm>>) dst(%arg12 : memref<1000xf32, #tpu.memory_space<vmem>>)
      tpu.yield
    }) : () -> ()
    %iota3A = tpu.iota {dimensions = array<i32: 0>} : vector<16xi32>
    %scan3A_8 = arith.constant 0 : i32
    %scan3A_9 = arith.constant 0 : i32
    %scan3A_10 = arith.constant 8 : i32
    %scan3A_11 = arith.addi %scan3A_9, %scan3A_10 : i32
    %scan3A_12 = arith.constant 1 : i32
    scf.for %scan3A_26 = %scan3A_9 to %scan3A_11 step %scan3A_12  : i32 {
      %mul3A_27 = arith.constant 16 : i32
      %mul3A_28 = arith.muli %scan3A_26, %mul3A_27 : i32
      %add3A_29 = vector.broadcast %mul3A_28 : i32 to vector<16xi32>
      %add3A_30 = arith.addi %add3A_29, %iota3A : vector<16xi32>
      %broadcast_in_dim3A = arith.constant 0 : i32
      %broadcast_in_dim3A_31 = vector.broadcast %broadcast_in_dim3A : i32 to vector<16xi32>
      %gather3A = tpu.vector_load_idx %arg10[%add3A_30, %broadcast_in_dim3A_31] : memref<128x26xi32, #tpu.memory_space<vmem>>[vector<16xi32>, vector<16xi32>], vector<16xi32>,
      %broadcast_in_dim3A_32 = arith.constant 1 : i32
      %broadcast_in_dim3A_33 = vector.broadcast %broadcast_in_dim3A_32 : i32 to vector<16xi32>
      %gather3A_34 = tpu.vector_load_idx %arg10[%add3A_30, %broadcast_in_dim3A_33] : memref<128x26xi32, #tpu.memory_space<vmem>>[vector<16xi32>, vector<16xi32>], vector<16xi32>,
      %broadcast_in_dim3A_35 = arith.constant 2 : i32
      %broadcast_in_dim3A_36 = vector.broadcast %broadcast_in_dim3A_35 : i32 to vector<16xi32>
      %gather3A_37 = tpu.vector_load_idx %arg10[%add3A_30, %broadcast_in_dim3A_36] : memref<128x26xi32, #tpu.memory_space<vmem>>[vector<16xi32>, vector<16xi32>], vector<16xi32>,
      %broadcast_in_dim3A_38 = arith.constant 3 : i32
      %broadcast_in_dim3A_39 = vector.broadcast %broadcast_in_dim3A_38 : i32 to vector<16xi32>
      %gather3A_40 = tpu.vector_load_idx %arg10[%add3A_30, %broadcast_in_dim3A_39] : memref<128x26xi32, #tpu.memory_space<vmem>>[vector<16xi32>, vector<16xi32>], vector<16xi32>,
      %broadcast_in_dim3A_41 = arith.constant 4 : i32
      %broadcast_in_dim3A_42 = vector.broadcast %broadcast_in_dim3A_41 : i32 to vector<16xi32>
      %gather3A_43 = tpu.vector_load_idx %arg10[%add3A_30, %broadcast_in_dim3A_42] : memref<128x26xi32, #tpu.memory_space<vmem>>[vector<16xi32>, vector<16xi32>], vector<16xi32>,
      %broadcast_in_dim3A_44 = arith.constant 5 : i32
      %broadcast_in_dim3A_45 = vector.broadcast %broadcast_in_dim3A_44 : i32 to vector<16xi32>
      %gather3A_46 = tpu.vector_load_idx %arg10[%add3A_30, %broadcast_in_dim3A_45] : memref<128x26xi32, #tpu.memory_space<vmem>>[vector<16xi32>, vector<16xi32>], vector<16xi32>,
      %broadcast_in_dim3A_47 = arith.constant 6 : i32
      %broadcast_in_dim3A_48 = vector.broadcast %broadcast_in_dim3A_47 : i32 to vector<16xi32>
      %gather3A_49 = tpu.vector_load_idx %arg10[%add3A_30, %broadcast_in_dim3A_48] : memref<128x26xi32, #tpu.memory_space<vmem>>[vector<16xi32>, vector<16xi32>], vector<16xi32>,
      %broadcast_in_dim3A_50 = arith.constant 7 : i32
      %broadcast_in_dim3A_51 = vector.broadcast %broadcast_in_dim3A_50 : i32 to vector<16xi32>
      %gather3A_52 = tpu.vector_load_idx %arg10[%add3A_30, %broadcast_in_dim3A_51] : memref<128x26xi32, #tpu.memory_space<vmem>>[vector<16xi32>, vector<16xi32>], vector<16xi32>,
      %broadcast_in_dim3A_53 = arith.constant 8 : i32
      %broadcast_in_dim3A_54 = vector.broadcast %broadcast_in_dim3A_53 : i32 to vector<16xi32>
      %gather3A_55 = tpu.vector_load_idx %arg10[%add3A_30, %broadcast_in_dim3A_54] : memref<128x26xi32, #tpu.memory_space<vmem>>[vector<16xi32>, vector<16xi32>], vector<16xi32>,
      %broadcast_in_dim3A_56 = arith.constant 9 : i32
      %broadcast_in_dim3A_57 = vector.broadcast %broadcast_in_dim3A_56 : i32 to vector<16xi32>
      %gather3A_58 = tpu.vector_load_idx %arg10[%add3A_30, %broadcast_in_dim3A_57] : memref<128x26xi32, #tpu.memory_space<vmem>>[vector<16xi32>, vector<16xi32>], vector<16xi32>,
      %broadcast_in_dim3A_59 = arith.constant 10 : i32
      %broadcast_in_dim3A_60 = vector.broadcast %broadcast_in_dim3A_59 : i32 to vector<16xi32>
      %gather3A_61 = tpu.vector_load_idx %arg10[%add3A_30, %broadcast_in_dim3A_60] : memref<128x26xi32, #tpu.memory_space<vmem>>[vector<16xi32>, vector<16xi32>], vector<16xi32>,
      %broadcast_in_dim3A_62 = arith.constant 11 : i32
      %broadcast_in_dim3A_63 = vector.broadcast %broadcast_in_dim3A_62 : i32 to vector<16xi32>
      %gather3A_64 = tpu.vector_load_idx %arg10[%add3A_30, %broadcast_in_dim3A_63] : memref<128x26xi32, #tpu.memory_space<vmem>>[vector<16xi32>, vector<16xi32>], vector<16xi32>,
      %broadcast_in_dim3A_65 = arith.constant 12 : i32
      %broadcast_in_dim3A_66 = vector.broadcast %broadcast_in_dim3A_65 : i32 to vector<16xi32>
      %gather3A_67 = tpu.vector_load_idx %arg10[%add3A_30, %broadcast_in_dim3A_66] : memref<128x26xi32, #tpu.memory_space<vmem>>[vector<16xi32>, vector<16xi32>], vector<16xi32>,
      %broadcast_in_dim3A_68 = arith.constant 13 : i32
      %broadcast_in_dim3A_69 = vector.broadcast %broadcast_in_dim3A_68 : i32 to vector<16xi32>
      %gather3A_70 = tpu.vector_load_idx %arg10[%add3A_30, %broadcast_in_dim3A_69] : memref<128x26xi32, #tpu.memory_space<vmem>>[vector<16xi32>, vector<16xi32>], vector<16xi32>,
      %broadcast_in_dim3A_71 = arith.constant 14 : i32
      %broadcast_in_dim3A_72 = vector.broadcast %broadcast_in_dim3A_71 : i32 to vector<16xi32>
      %gather3A_73 = tpu.vector_load_idx %arg10[%add3A_30, %broadcast_in_dim3A_72] : memref<128x26xi32, #tpu.memory_space<vmem>>[vector<16xi32>, vector<16xi32>], vector<16xi32>,
      %broadcast_in_dim3A_74 = arith.constant 15 : i32
      %broadcast_in_dim3A_75 = vector.broadcast %broadcast_in_dim3A_74 : i32 to vector<16xi32>
      %gather3A_76 = tpu.vector_load_idx %arg10[%add3A_30, %broadcast_in_dim3A_75] : memref<128x26xi32, #tpu.memory_space<vmem>>[vector<16xi32>, vector<16xi32>], vector<16xi32>,
      %broadcast_in_dim3A_77 = arith.constant 16 : i32
      %broadcast_in_dim3A_78 = vector.broadcast %broadcast_in_dim3A_77 : i32 to vector<16xi32>
      %gather3A_79 = tpu.vector_load_idx %arg10[%add3A_30, %broadcast_in_dim3A_78] : memref<128x26xi32, #tpu.memory_space<vmem>>[vector<16xi32>, vector<16xi32>], vector<16xi32>,
      %broadcast_in_dim3A_80 = arith.constant 17 : i32
      %broadcast_in_dim3A_81 = vector.broadcast %broadcast_in_dim3A_80 : i32 to vector<16xi32>
      %gather3A_82 = tpu.vector_load_idx %arg10[%add3A_30, %broadcast_in_dim3A_81] : memref<128x26xi32, #tpu.memory_space<vmem>>[vector<16xi32>, vector<16xi32>], vector<16xi32>,
      %broadcast_in_dim3A_83 = arith.constant 18 : i32
      %broadcast_in_dim3A_84 = vector.broadcast %broadcast_in_dim3A_83 : i32 to vector<16xi32>
      %gather3A_85 = tpu.vector_load_idx %arg10[%add3A_30, %broadcast_in_dim3A_84] : memref<128x26xi32, #tpu.memory_space<vmem>>[vector<16xi32>, vector<16xi32>], vector<16xi32>,
      %broadcast_in_dim3A_86 = arith.constant 19 : i32
      %broadcast_in_dim3A_87 = vector.broadcast %broadcast_in_dim3A_86 : i32 to vector<16xi32>
      %gather3A_88 = tpu.vector_load_idx %arg10[%add3A_30, %broadcast_in_dim3A_87] : memref<128x26xi32, #tpu.memory_space<vmem>>[vector<16xi32>, vector<16xi32>], vector<16xi32>,
      %broadcast_in_dim3A_89 = arith.constant 20 : i32
      %broadcast_in_dim3A_90 = vector.broadcast %broadcast_in_dim3A_89 : i32 to vector<16xi32>
      %gather3A_91 = tpu.vector_load_idx %arg10[%add3A_30, %broadcast_in_dim3A_90] : memref<128x26xi32, #tpu.memory_space<vmem>>[vector<16xi32>, vector<16xi32>], vector<16xi32>,
      %broadcast_in_dim3A_92 = arith.constant 21 : i32
      %broadcast_in_dim3A_93 = vector.broadcast %broadcast_in_dim3A_92 : i32 to vector<16xi32>
      %gather3A_94 = tpu.vector_load_idx %arg10[%add3A_30, %broadcast_in_dim3A_93] : memref<128x26xi32, #tpu.memory_space<vmem>>[vector<16xi32>, vector<16xi32>], vector<16xi32>,
      %broadcast_in_dim3A_95 = arith.constant 22 : i32
      %broadcast_in_dim3A_96 = vector.broadcast %broadcast_in_dim3A_95 : i32 to vector<16xi32>
      %gather3A_97 = tpu.vector_load_idx %arg10[%add3A_30, %broadcast_in_dim3A_96] : memref<128x26xi32, #tpu.memory_space<vmem>>[vector<16xi32>, vector<16xi32>], vector<16xi32>,
      %broadcast_in_dim3A_98 = arith.constant 23 : i32
      %broadcast_in_dim3A_99 = vector.broadcast %broadcast_in_dim3A_98 : i32 to vector<16xi32>
      %gather3A_100 = tpu.vector_load_idx %arg10[%add3A_30, %broadcast_in_dim3A_99] : memref<128x26xi32, #tpu.memory_space<vmem>>[vector<16xi32>, vector<16xi32>], vector<16xi32>,
      %broadcast_in_dim3A_101 = arith.constant 24 : i32
      %broadcast_in_dim3A_102 = vector.broadcast %broadcast_in_dim3A_101 : i32 to vector<16xi32>
      %gather3A_103 = tpu.vector_load_idx %arg10[%add3A_30, %broadcast_in_dim3A_102] : memref<128x26xi32, #tpu.memory_space<vmem>>[vector<16xi32>, vector<16xi32>], vector<16xi32>,
      %broadcast_in_dim3A_104 = arith.constant 25 : i32
      %broadcast_in_dim3A_105 = vector.broadcast %broadcast_in_dim3A_104 : i32 to vector<16xi32>
      %gather3A_106 = tpu.vector_load_idx %arg10[%add3A_30, %broadcast_in_dim3A_105] : memref<128x26xi32, #tpu.memory_space<vmem>>[vector<16xi32>, vector<16xi32>], vector<16xi32>,
      %gather3A_107 = tpu.vector_load_idx %arg12[%gather3A] : memref<1000xf32, #tpu.memory_space<vmem>>[vector<16xi32>], vector<16xf32>,
      %eq3A = arith.cmpi eq, %gather3A_34, %gather3A : vector<16xi32>
      %gather3A_108 = tpu.vector_load_idx %arg12[%gather3A_34] : memref<1000xf32, #tpu.memory_space<vmem>>[vector<16xi32>], vector<16xf32>,
      %jit3A = arith.constant 0.000000e+00 : f32
      %broadcast_in_dim3A_109 = vector.broadcast %jit3A : f32 to vector<16xf32>
      %select_n3A = arith.select %eq3A, %broadcast_in_dim3A_109, %gather3A_108 : vector<16xi1>, vector<16xf32>
      %add3A_110 = arith.addf %gather3A_107, %select_n3A : vector<16xf32>
      %eq3A_111 = arith.cmpi eq, %gather3A_37, %gather3A : vector<16xi32>
      %eq3A_112 = arith.cmpi eq, %gather3A_37, %gather3A_34 : vector<16xi32>
      %or3A = arith.ori %eq3A_111, %eq3A_112 : vector<16xi1>
      %gather3A_113 = tpu.vector_load_idx %arg12[%gather3A_37] : memref<1000xf32, #tpu.memory_space<vmem>>[vector<16xi32>], vector<16xf32>,
      %jit3A_114 = arith.constant 0.000000e+00 : f32
      %broadcast_in_dim3A_115 = vector.broadcast %jit3A_114 : f32 to vector<16xf32>
      %select_n3A_116 = arith.select %or3A, %broadcast_in_dim3A_115, %gather3A_113 : vector<16xi1>, vector<16xf32>
      %add3A_117 = arith.addf %add3A_110, %select_n3A_116 : vector<16xf32>
      %eq3A_118 = arith.cmpi eq, %gather3A_40, %gather3A : vector<16xi32>
      %eq3A_119 = arith.cmpi eq, %gather3A_40, %gather3A_34 : vector<16xi32>
      %or3A_120 = arith.ori %eq3A_118, %eq3A_119 : vector<16xi1>
      %eq3A_121 = arith.cmpi eq, %gather3A_40, %gather3A_37 : vector<16xi32>
      %or3A_122 = arith.ori %or3A_120, %eq3A_121 : vector<16xi1>
      %gather3A_123 = tpu.vector_load_idx %arg12[%gather3A_40] : memref<1000xf32, #tpu.memory_space<vmem>>[vector<16xi32>], vector<16xf32>,
      %jit3A_124 = arith.constant 0.000000e+00 : f32
      %broadcast_in_dim3A_125 = vector.broadcast %jit3A_124 : f32 to vector<16xf32>
      %select_n3A_126 = arith.select %or3A_122, %broadcast_in_dim3A_125, %gather3A_123 : vector<16xi1>, vector<16xf32>
      %add3A_127 = arith.addf %add3A_117, %select_n3A_126 : vector<16xf32>
      %eq3A_128 = arith.cmpi eq, %gather3A_43, %gather3A : vector<16xi32>
      %eq3A_129 = arith.cmpi eq, %gather3A_43, %gather3A_34 : vector<16xi32>
      %or3A_130 = arith.ori %eq3A_128, %eq3A_129 : vector<16xi1>
      %eq3A_131 = arith.cmpi eq, %gather3A_43, %gather3A_37 : vector<16xi32>
      %or3A_132 = arith.ori %or3A_130, %eq3A_131 : vector<16xi1>
      %eq3A_133 = arith.cmpi eq, %gather3A_43, %gather3A_40 : vector<16xi32>
      %or3A_134 = arith.ori %or3A_132, %eq3A_133 : vector<16xi1>
      %gather3A_135 = tpu.vector_load_idx %arg12[%gather3A_43] : memref<1000xf32, #tpu.memory_space<vmem>>[vector<16xi32>], vector<16xf32>,
      %jit3A_136 = arith.constant 0.000000e+00 : f32
      %broadcast_in_dim3A_137 = vector.broadcast %jit3A_136 : f32 to vector<16xf32>
      %select_n3A_138 = arith.select %or3A_134, %broadcast_in_dim3A_137, %gather3A_135 : vector<16xi1>, vector<16xf32>
      %add3A_139 = arith.addf %add3A_127, %select_n3A_138 : vector<16xf32>
      %eq3A_140 = arith.cmpi eq, %gather3A_46, %gather3A : vector<16xi32>
      %eq3A_141 = arith.cmpi eq, %gather3A_46, %gather3A_34 : vector<16xi32>
      %or3A_142 = arith.ori %eq3A_140, %eq3A_141 : vector<16xi1>
      %eq3A_143 = arith.cmpi eq, %gather3A_46, %gather3A_37 : vector<16xi32>
      %or3A_144 = arith.ori %or3A_142, %eq3A_143 : vector<16xi1>
      %eq3A_145 = arith.cmpi eq, %gather3A_46, %gather3A_40 : vector<16xi32>
      %or3A_146 = arith.ori %or3A_144, %eq3A_145 : vector<16xi1>
      %eq3A_147 = arith.cmpi eq, %gather3A_46, %gather3A_43 : vector<16xi32>
      %or3A_148 = arith.ori %or3A_146, %eq3A_147 : vector<16xi1>
      %gather3A_149 = tpu.vector_load_idx %arg12[%gather3A_46] : memref<1000xf32, #tpu.memory_space<vmem>>[vector<16xi32>], vector<16xf32>,
      %jit3A_150 = arith.constant 0.000000e+00 : f32
      %broadcast_in_dim3A_151 = vector.broadcast %jit3A_150 : f32 to vector<16xf32>
      %select_n3A_152 = arith.select %or3A_148, %broadcast_in_dim3A_151, %gather3A_149 : vector<16xi1>, vector<16xf32>
      %add3A_153 = arith.addf %add3A_139, %select_n3A_152 : vector<16xf32>
      %eq3A_154 = arith.cmpi eq, %gather3A_49, %gather3A : vector<16xi32>
      %eq3A_155 = arith.cmpi eq, %gather3A_49, %gather3A_34 : vector<16xi32>
      %or3A_156 = arith.ori %eq3A_154, %eq3A_155 : vector<16xi1>
      %eq3A_157 = arith.cmpi eq, %gather3A_49, %gather3A_37 : vector<16xi32>
      %or3A_158 = arith.ori %or3A_156, %eq3A_157 : vector<16xi1>
      %eq3A_159 = arith.cmpi eq, %gather3A_49, %gather3A_40 : vector<16xi32>
      %or3A_160 = arith.ori %or3A_158, %eq3A_159 : vector<16xi1>
      %eq3A_161 = arith.cmpi eq, %gather3A_49, %gather3A_43 : vector<16xi32>
      %or3A_162 = arith.ori %or3A_160, %eq3A_161 : vector<16xi1>
      %eq3A_163 = arith.cmpi eq, %gather3A_49, %gather3A_46 : vector<16xi32>
      %or3A_164 = arith.ori %or3A_162, %eq3A_163 : vector<16xi1>
      %gather3A_165 = tpu.vector_load_idx %arg12[%gather3A_49] : memref<1000xf32, #tpu.memory_space<vmem>>[vector<16xi32>], vector<16xf32>,
      %jit3A_166 = arith.constant 0.000000e+00 : f32
      %broadcast_in_dim3A_167 = vector.broadcast %jit3A_166 : f32 to vector<16xf32>
      %select_n3A_168 = arith.select %or3A_164, %broadcast_in_dim3A_167, %gather3A_165 : vector<16xi1>, vector<16xf32>
      %add3A_169 = arith.addf %add3A_153, %select_n3A_168 : vector<16xf32>
      %eq3A_170 = arith.cmpi eq, %gather3A_52, %gather3A : vector<16xi32>
      %eq3A_171 = arith.cmpi eq, %gather3A_52, %gather3A_34 : vector<16xi32>
      %or3A_172 = arith.ori %eq3A_170, %eq3A_171 : vector<16xi1>
      %eq3A_173 = arith.cmpi eq, %gather3A_52, %gather3A_37 : vector<16xi32>
      %or3A_174 = arith.ori %or3A_172, %eq3A_173 : vector<16xi1>
      %eq3A_175 = arith.cmpi eq, %gather3A_52, %gather3A_40 : vector<16xi32>
      %or3A_176 = arith.ori %or3A_174, %eq3A_175 : vector<16xi1>
      %eq3A_177 = arith.cmpi eq, %gather3A_52, %gather3A_43 : vector<16xi32>
      %or3A_178 = arith.ori %or3A_176, %eq3A_177 : vector<16xi1>
      %eq3A_179 = arith.cmpi eq, %gather3A_52, %gather3A_46 : vector<16xi32>
      %or3A_180 = arith.ori %or3A_178, %eq3A_179 : vector<16xi1>
      %eq3A_181 = arith.cmpi eq, %gather3A_52, %gather3A_49 : vector<16xi32>
      %or3A_182 = arith.ori %or3A_180, %eq3A_181 : vector<16xi1>
      %gather3A_183 = tpu.vector_load_idx %arg12[%gather3A_52] : memref<1000xf32, #tpu.memory_space<vmem>>[vector<16xi32>], vector<16xf32>,
      %jit3A_184 = arith.constant 0.000000e+00 : f32
      %broadcast_in_dim3A_185 = vector.broadcast %jit3A_184 : f32 to vector<16xf32>
      %select_n3A_186 = arith.select %or3A_182, %broadcast_in_dim3A_185, %gather3A_183 : vector<16xi1>, vector<16xf32>
      %add3A_187 = arith.addf %add3A_169, %select_n3A_186 : vector<16xf32>
      %eq3A_188 = arith.cmpi eq, %gather3A_55, %gather3A : vector<16xi32>
      %eq3A_189 = arith.cmpi eq, %gather3A_55, %gather3A_34 : vector<16xi32>
      %or3A_190 = arith.ori %eq3A_188, %eq3A_189 : vector<16xi1>
      %eq3A_191 = arith.cmpi eq, %gather3A_55, %gather3A_37 : vector<16xi32>
      %or3A_192 = arith.ori %or3A_190, %eq3A_191 : vector<16xi1>
      %eq3A_193 = arith.cmpi eq, %gather3A_55, %gather3A_40 : vector<16xi32>
      %or3A_194 = arith.ori %or3A_192, %eq3A_193 : vector<16xi1>
      %eq3A_195 = arith.cmpi eq, %gather3A_55, %gather3A_43 : vector<16xi32>
      %or3A_196 = arith.ori %or3A_194, %eq3A_195 : vector<16xi1>
      %eq3A_197 = arith.cmpi eq, %gather3A_55, %gather3A_46 : vector<16xi32>
      %or3A_198 = arith.ori %or3A_196, %eq3A_197 : vector<16xi1>
      %eq3A_199 = arith.cmpi eq, %gather3A_55, %gather3A_49 : vector<16xi32>
      %or3A_200 = arith.ori %or3A_198, %eq3A_199 : vector<16xi1>
      %eq3A_201 = arith.cmpi eq, %gather3A_55, %gather3A_52 : vector<16xi32>
      %or3A_202 = arith.ori %or3A_200, %eq3A_201 : vector<16xi1>
      %gather3A_203 = tpu.vector_load_idx %arg12[%gather3A_55] : memref<1000xf32, #tpu.memory_space<vmem>>[vector<16xi32>], vector<16xf32>,
      %jit3A_204 = arith.constant 0.000000e+00 : f32
      %broadcast_in_dim3A_205 = vector.broadcast %jit3A_204 : f32 to vector<16xf32>
      %select_n3A_206 = arith.select %or3A_202, %broadcast_in_dim3A_205, %gather3A_203 : vector<16xi1>, vector<16xf32>
      %add3A_207 = arith.addf %add3A_187, %select_n3A_206 : vector<16xf32>
      %eq3A_208 = arith.cmpi eq, %gather3A_58, %gather3A : vector<16xi32>
      %eq3A_209 = arith.cmpi eq, %gather3A_58, %gather3A_34 : vector<16xi32>
      %or3A_210 = arith.ori %eq3A_208, %eq3A_209 : vector<16xi1>
      %eq3A_211 = arith.cmpi eq, %gather3A_58, %gather3A_37 : vector<16xi32>
      %or3A_212 = arith.ori %or3A_210, %eq3A_211 : vector<16xi1>
      %eq3A_213 = arith.cmpi eq, %gather3A_58, %gather3A_40 : vector<16xi32>
      %or3A_214 = arith.ori %or3A_212, %eq3A_213 : vector<16xi1>
      %eq3A_215 = arith.cmpi eq, %gather3A_58, %gather3A_43 : vector<16xi32>
      %or3A_216 = arith.ori %or3A_214, %eq3A_215 : vector<16xi1>
      %eq3A_217 = arith.cmpi eq, %gather3A_58, %gather3A_46 : vector<16xi32>
      %or3A_218 = arith.ori %or3A_216, %eq3A_217 : vector<16xi1>
      %eq3A_219 = arith.cmpi eq, %gather3A_58, %gather3A_49 : vector<16xi32>
      %or3A_220 = arith.ori %or3A_218, %eq3A_219 : vector<16xi1>
      %eq3A_221 = arith.cmpi eq, %gather3A_58, %gather3A_52 : vector<16xi32>
      %or3A_222 = arith.ori %or3A_220, %eq3A_221 : vector<16xi1>
      %eq3A_223 = arith.cmpi eq, %gather3A_58, %gather3A_55 : vector<16xi32>
      %or3A_224 = arith.ori %or3A_222, %eq3A_223 : vector<16xi1>
      %gather3A_225 = tpu.vector_load_idx %arg12[%gather3A_58] : memref<1000xf32, #tpu.memory_space<vmem>>[vector<16xi32>], vector<16xf32>,
      %jit3A_226 = arith.constant 0.000000e+00 : f32
      %broadcast_in_dim3A_227 = vector.broadcast %jit3A_226 : f32 to vector<16xf32>
      %select_n3A_228 = arith.select %or3A_224, %broadcast_in_dim3A_227, %gather3A_225 : vector<16xi1>, vector<16xf32>
      %add3A_229 = arith.addf %add3A_207, %select_n3A_228 : vector<16xf32>
      %eq3A_230 = arith.cmpi eq, %gather3A_61, %gather3A : vector<16xi32>
      %eq3A_231 = arith.cmpi eq, %gather3A_61, %gather3A_34 : vector<16xi32>
      %or3A_232 = arith.ori %eq3A_230, %eq3A_231 : vector<16xi1>
      %eq3A_233 = arith.cmpi eq, %gather3A_61, %gather3A_37 : vector<16xi32>
      %or3A_234 = arith.ori %or3A_232, %eq3A_233 : vector<16xi1>
      %eq3A_235 = arith.cmpi eq, %gather3A_61, %gather3A_40 : vector<16xi32>
      %or3A_236 = arith.ori %or3A_234, %eq3A_235 : vector<16xi1>
      %eq3A_237 = arith.cmpi eq, %gather3A_61, %gather3A_43 : vector<16xi32>
      %or3A_238 = arith.ori %or3A_236, %eq3A_237 : vector<16xi1>
      %eq3A_239 = arith.cmpi eq, %gather3A_61, %gather3A_46 : vector<16xi32>
      %or3A_240 = arith.ori %or3A_238, %eq3A_239 : vector<16xi1>
      %eq3A_241 = arith.cmpi eq, %gather3A_61, %gather3A_49 : vector<16xi32>
      %or3A_242 = arith.ori %or3A_240, %eq3A_241 : vector<16xi1>
      %eq3A_243 = arith.cmpi eq, %gather3A_61, %gather3A_52 : vector<16xi32>
      %or3A_244 = arith.ori %or3A_242, %eq3A_243 : vector<16xi1>
      %eq3A_245 = arith.cmpi eq, %gather3A_61, %gather3A_55 : vector<16xi32>
      %or3A_246 = arith.ori %or3A_244, %eq3A_245 : vector<16xi1>
      %eq3A_247 = arith.cmpi eq, %gather3A_61, %gather3A_58 : vector<16xi32>
      %or3A_248 = arith.ori %or3A_246, %eq3A_247 : vector<16xi1>
      %gather3A_249 = tpu.vector_load_idx %arg12[%gather3A_61] : memref<1000xf32, #tpu.memory_space<vmem>>[vector<16xi32>], vector<16xf32>,
      %jit3A_250 = arith.constant 0.000000e+00 : f32
      %broadcast_in_dim3A_251 = vector.broadcast %jit3A_250 : f32 to vector<16xf32>
      %select_n3A_252 = arith.select %or3A_248, %broadcast_in_dim3A_251, %gather3A_249 : vector<16xi1>, vector<16xf32>
      %add3A_253 = arith.addf %add3A_229, %select_n3A_252 : vector<16xf32>
      %eq3A_254 = arith.cmpi eq, %gather3A_64, %gather3A : vector<16xi32>
      %eq3A_255 = arith.cmpi eq, %gather3A_64, %gather3A_34 : vector<16xi32>
      %or3A_256 = arith.ori %eq3A_254, %eq3A_255 : vector<16xi1>
      %eq3A_257 = arith.cmpi eq, %gather3A_64, %gather3A_37 : vector<16xi32>
      %or3A_258 = arith.ori %or3A_256, %eq3A_257 : vector<16xi1>
      %eq3A_259 = arith.cmpi eq, %gather3A_64, %gather3A_40 : vector<16xi32>
      %or3A_260 = arith.ori %or3A_258, %eq3A_259 : vector<16xi1>
      %eq3A_261 = arith.cmpi eq, %gather3A_64, %gather3A_43 : vector<16xi32>
      %or3A_262 = arith.ori %or3A_260, %eq3A_261 : vector<16xi1>
      %eq3A_263 = arith.cmpi eq, %gather3A_64, %gather3A_46 : vector<16xi32>
      %or3A_264 = arith.ori %or3A_262, %eq3A_263 : vector<16xi1>
      %eq3A_265 = arith.cmpi eq, %gather3A_64, %gather3A_49 : vector<16xi32>
      %or3A_266 = arith.ori %or3A_264, %eq3A_265 : vector<16xi1>
      %eq3A_267 = arith.cmpi eq, %gather3A_64, %gather3A_52 : vector<16xi32>
      %or3A_268 = arith.ori %or3A_266, %eq3A_267 : vector<16xi1>
      %eq3A_269 = arith.cmpi eq, %gather3A_64, %gather3A_55 : vector<16xi32>
      %or3A_270 = arith.ori %or3A_268, %eq3A_269 : vector<16xi1>
      %eq3A_271 = arith.cmpi eq, %gather3A_64, %gather3A_58 : vector<16xi32>
      %or3A_272 = arith.ori %or3A_270, %eq3A_271 : vector<16xi1>
      %eq3A_273 = arith.cmpi eq, %gather3A_64, %gather3A_61 : vector<16xi32>
      %or3A_274 = arith.ori %or3A_272, %eq3A_273 : vector<16xi1>
      %gather3A_275 = tpu.vector_load_idx %arg12[%gather3A_64] : memref<1000xf32, #tpu.memory_space<vmem>>[vector<16xi32>], vector<16xf32>,
      %jit3A_276 = arith.constant 0.000000e+00 : f32
      %broadcast_in_dim3A_277 = vector.broadcast %jit3A_276 : f32 to vector<16xf32>
      %select_n3A_278 = arith.select %or3A_274, %broadcast_in_dim3A_277, %gather3A_275 : vector<16xi1>, vector<16xf32>
      %add3A_279 = arith.addf %add3A_253, %select_n3A_278 : vector<16xf32>
      %eq3A_280 = arith.cmpi eq, %gather3A_67, %gather3A : vector<16xi32>
      %eq3A_281 = arith.cmpi eq, %gather3A_67, %gather3A_34 : vector<16xi32>
      %or3A_282 = arith.ori %eq3A_280, %eq3A_281 : vector<16xi1>
      %eq3A_283 = arith.cmpi eq, %gather3A_67, %gather3A_37 : vector<16xi32>
      %or3A_284 = arith.ori %or3A_282, %eq3A_283 : vector<16xi1>
      %eq3A_285 = arith.cmpi eq, %gather3A_67, %gather3A_40 : vector<16xi32>
      %or3A_286 = arith.ori %or3A_284, %eq3A_285 : vector<16xi1>
      %eq3A_287 = arith.cmpi eq, %gather3A_67, %gather3A_43 : vector<16xi32>
      %or3A_288 = arith.ori %or3A_286, %eq3A_287 : vector<16xi1>
      %eq3A_289 = arith.cmpi eq, %gather3A_67, %gather3A_46 : vector<16xi32>
      %or3A_290 = arith.ori %or3A_288, %eq3A_289 : vector<16xi1>
      %eq3A_291 = arith.cmpi eq, %gather3A_67, %gather3A_49 : vector<16xi32>
      %or3A_292 = arith.ori %or3A_290, %eq3A_291 : vector<16xi1>
      %eq3A_293 = arith.cmpi eq, %gather3A_67, %gather3A_52 : vector<16xi32>
      %or3A_294 = arith.ori %or3A_292, %eq3A_293 : vector<16xi1>
      %eq3A_295 = arith.cmpi eq, %gather3A_67, %gather3A_55 : vector<16xi32>
      %or3A_296 = arith.ori %or3A_294, %eq3A_295 : vector<16xi1>
      %eq3A_297 = arith.cmpi eq, %gather3A_67, %gather3A_58 : vector<16xi32>
      %or3A_298 = arith.ori %or3A_296, %eq3A_297 : vector<16xi1>
      %eq3A_299 = arith.cmpi eq, %gather3A_67, %gather3A_61 : vector<16xi32>
      %or3A_300 = arith.ori %or3A_298, %eq3A_299 : vector<16xi1>
      %eq3A_301 = arith.cmpi eq, %gather3A_67, %gather3A_64 : vector<16xi32>
      %or3A_302 = arith.ori %or3A_300, %eq3A_301 : vector<16xi1>
      %gather3A_303 = tpu.vector_load_idx %arg12[%gather3A_67] : memref<1000xf32, #tpu.memory_space<vmem>>[vector<16xi32>], vector<16xf32>,
      %jit3A_304 = arith.constant 0.000000e+00 : f32
      %broadcast_in_dim3A_305 = vector.broadcast %jit3A_304 : f32 to vector<16xf32>
      %select_n3A_306 = arith.select %or3A_302, %broadcast_in_dim3A_305, %gather3A_303 : vector<16xi1>, vector<16xf32>
      %add3A_307 = arith.addf %add3A_279, %select_n3A_306 : vector<16xf32>
      %eq3A_308 = arith.cmpi eq, %gather3A_70, %gather3A : vector<16xi32>
      %eq3A_309 = arith.cmpi eq, %gather3A_70, %gather3A_34 : vector<16xi32>
      %or3A_310 = arith.ori %eq3A_308, %eq3A_309 : vector<16xi1>
      %eq3A_311 = arith.cmpi eq, %gather3A_70, %gather3A_37 : vector<16xi32>
      %or3A_312 = arith.ori %or3A_310, %eq3A_311 : vector<16xi1>
      %eq3A_313 = arith.cmpi eq, %gather3A_70, %gather3A_40 : vector<16xi32>
      %or3A_314 = arith.ori %or3A_312, %eq3A_313 : vector<16xi1>
      %eq3A_315 = arith.cmpi eq, %gather3A_70, %gather3A_43 : vector<16xi32>
      %or3A_316 = arith.ori %or3A_314, %eq3A_315 : vector<16xi1>
      %eq3A_317 = arith.cmpi eq, %gather3A_70, %gather3A_46 : vector<16xi32>
      %or3A_318 = arith.ori %or3A_316, %eq3A_317 : vector<16xi1>
      %eq3A_319 = arith.cmpi eq, %gather3A_70, %gather3A_49 : vector<16xi32>
      %or3A_320 = arith.ori %or3A_318, %eq3A_319 : vector<16xi1>
      %eq3A_321 = arith.cmpi eq, %gather3A_70, %gather3A_52 : vector<16xi32>
      %or3A_322 = arith.ori %or3A_320, %eq3A_321 : vector<16xi1>
      %eq3A_323 = arith.cmpi eq, %gather3A_70, %gather3A_55 : vector<16xi32>
      %or3A_324 = arith.ori %or3A_322, %eq3A_323 : vector<16xi1>
      %eq3A_325 = arith.cmpi eq, %gather3A_70, %gather3A_58 : vector<16xi32>
      %or3A_326 = arith.ori %or3A_324, %eq3A_325 : vector<16xi1>
      %eq3A_327 = arith.cmpi eq, %gather3A_70, %gather3A_61 : vector<16xi32>
      %or3A_328 = arith.ori %or3A_326, %eq3A_327 : vector<16xi1>
      %eq3A_329 = arith.cmpi eq, %gather3A_70, %gather3A_64 : vector<16xi32>
      %or3A_330 = arith.ori %or3A_328, %eq3A_329 : vector<16xi1>
      %eq3A_331 = arith.cmpi eq, %gather3A_70, %gather3A_67 : vector<16xi32>
      %or3A_332 = arith.ori %or3A_330, %eq3A_331 : vector<16xi1>
      %gather3A_333 = tpu.vector_load_idx %arg12[%gather3A_70] : memref<1000xf32, #tpu.memory_space<vmem>>[vector<16xi32>], vector<16xf32>,
      %jit3A_334 = arith.constant 0.000000e+00 : f32
      %broadcast_in_dim3A_335 = vector.broadcast %jit3A_334 : f32 to vector<16xf32>
      %select_n3A_336 = arith.select %or3A_332, %broadcast_in_dim3A_335, %gather3A_333 : vector<16xi1>, vector<16xf32>
      %add3A_337 = arith.addf %add3A_307, %select_n3A_336 : vector<16xf32>
      %eq3A_338 = arith.cmpi eq, %gather3A_73, %gather3A : vector<16xi32>
      %eq3A_339 = arith.cmpi eq, %gather3A_73, %gather3A_34 : vector<16xi32>
      %or3A_340 = arith.ori %eq3A_338, %eq3A_339 : vector<16xi1>
      %eq3A_341 = arith.cmpi eq, %gather3A_73, %gather3A_37 : vector<16xi32>
      %or3A_342 = arith.ori %or3A_340, %eq3A_341 : vector<16xi1>
      %eq3A_343 = arith.cmpi eq, %gather3A_73, %gather3A_40 : vector<16xi32>
      %or3A_344 = arith.ori %or3A_342, %eq3A_343 : vector<16xi1>
      %eq3A_345 = arith.cmpi eq, %gather3A_73, %gather3A_43 : vector<16xi32>
      %or3A_346 = arith.ori %or3A_344, %eq3A_345 : vector<16xi1>
      %eq3A_347 = arith.cmpi eq, %gather3A_73, %gather3A_46 : vector<16xi32>
      %or3A_348 = arith.ori %or3A_346, %eq3A_347 : vector<16xi1>
      %eq3A_349 = arith.cmpi eq, %gather3A_73, %gather3A_49 : vector<16xi32>
      %or3A_350 = arith.ori %or3A_348, %eq3A_349 : vector<16xi1>
      %eq3A_351 = arith.cmpi eq, %gather3A_73, %gather3A_52 : vector<16xi32>
      %or3A_352 = arith.ori %or3A_350, %eq3A_351 : vector<16xi1>
      %eq3A_353 = arith.cmpi eq, %gather3A_73, %gather3A_55 : vector<16xi32>
      %or3A_354 = arith.ori %or3A_352, %eq3A_353 : vector<16xi1>
      %eq3A_355 = arith.cmpi eq, %gather3A_73, %gather3A_58 : vector<16xi32>
      %or3A_356 = arith.ori %or3A_354, %eq3A_355 : vector<16xi1>
      %eq3A_357 = arith.cmpi eq, %gather3A_73, %gather3A_61 : vector<16xi32>
      %or3A_358 = arith.ori %or3A_356, %eq3A_357 : vector<16xi1>
      %eq3A_359 = arith.cmpi eq, %gather3A_73, %gather3A_64 : vector<16xi32>
      %or3A_360 = arith.ori %or3A_358, %eq3A_359 : vector<16xi1>
      %eq3A_361 = arith.cmpi eq, %gather3A_73, %gather3A_67 : vector<16xi32>
      %or3A_362 = arith.ori %or3A_360, %eq3A_361 : vector<16xi1>
      %eq3A_363 = arith.cmpi eq, %gather3A_73, %gather3A_70 : vector<16xi32>
      %or3A_364 = arith.ori %or3A_362, %eq3A_363 : vector<16xi1>
      %gather3A_365 = tpu.vector_load_idx %arg12[%gather3A_73] : memref<1000xf32, #tpu.memory_space<vmem>>[vector<16xi32>], vector<16xf32>,
      %jit3A_366 = arith.constant 0.000000e+00 : f32
      %broadcast_in_dim3A_367 = vector.broadcast %jit3A_366 : f32 to vector<16xf32>
      %select_n3A_368 = arith.select %or3A_364, %broadcast_in_dim3A_367, %gather3A_365 : vector<16xi1>, vector<16xf32>
      %add3A_369 = arith.addf %add3A_337, %select_n3A_368 : vector<16xf32>
      %eq3A_370 = arith.cmpi eq, %gather3A_76, %gather3A : vector<16xi32>
      %eq3A_371 = arith.cmpi eq, %gather3A_76, %gather3A_34 : vector<16xi32>
      %or3A_372 = arith.ori %eq3A_370, %eq3A_371 : vector<16xi1>
      %eq3A_373 = arith.cmpi eq, %gather3A_76, %gather3A_37 : vector<16xi32>
      %or3A_374 = arith.ori %or3A_372, %eq3A_373 : vector<16xi1>
      %eq3A_375 = arith.cmpi eq, %gather3A_76, %gather3A_40 : vector<16xi32>
      %or3A_376 = arith.ori %or3A_374, %eq3A_375 : vector<16xi1>
      %eq3A_377 = arith.cmpi eq, %gather3A_76, %gather3A_43 : vector<16xi32>
      %or3A_378 = arith.ori %or3A_376, %eq3A_377 : vector<16xi1>
      %eq3A_379 = arith.cmpi eq, %gather3A_76, %gather3A_46 : vector<16xi32>
      %or3A_380 = arith.ori %or3A_378, %eq3A_379 : vector<16xi1>
      %eq3A_381 = arith.cmpi eq, %gather3A_76, %gather3A_49 : vector<16xi32>
      %or3A_382 = arith.ori %or3A_380, %eq3A_381 : vector<16xi1>
      %eq3A_383 = arith.cmpi eq, %gather3A_76, %gather3A_52 : vector<16xi32>
      %or3A_384 = arith.ori %or3A_382, %eq3A_383 : vector<16xi1>
      %eq3A_385 = arith.cmpi eq, %gather3A_76, %gather3A_55 : vector<16xi32>
      %or3A_386 = arith.ori %or3A_384, %eq3A_385 : vector<16xi1>
      %eq3A_387 = arith.cmpi eq, %gather3A_76, %gather3A_58 : vector<16xi32>
      %or3A_388 = arith.ori %or3A_386, %eq3A_387 : vector<16xi1>
      %eq3A_389 = arith.cmpi eq, %gather3A_76, %gather3A_61 : vector<16xi32>
      %or3A_390 = arith.ori %or3A_388, %eq3A_389 : vector<16xi1>
      %eq3A_391 = arith.cmpi eq, %gather3A_76, %gather3A_64 : vector<16xi32>
      %or3A_392 = arith.ori %or3A_390, %eq3A_391 : vector<16xi1>
      %eq3A_393 = arith.cmpi eq, %gather3A_76, %gather3A_67 : vector<16xi32>
      %or3A_394 = arith.ori %or3A_392, %eq3A_393 : vector<16xi1>
      %eq3A_395 = arith.cmpi eq, %gather3A_76, %gather3A_70 : vector<16xi32>
      %or3A_396 = arith.ori %or3A_394, %eq3A_395 : vector<16xi1>
      %eq3A_397 = arith.cmpi eq, %gather3A_76, %gather3A_73 : vector<16xi32>
      %or3A_398 = arith.ori %or3A_396, %eq3A_397 : vector<16xi1>
      %gather3A_399 = tpu.vector_load_idx %arg12[%gather3A_76] : memref<1000xf32, #tpu.memory_space<vmem>>[vector<16xi32>], vector<16xf32>,
      %jit3A_400 = arith.constant 0.000000e+00 : f32
      %broadcast_in_dim3A_401 = vector.broadcast %jit3A_400 : f32 to vector<16xf32>
      %select_n3A_402 = arith.select %or3A_398, %broadcast_in_dim3A_401, %gather3A_399 : vector<16xi1>, vector<16xf32>
      %add3A_403 = arith.addf %add3A_369, %select_n3A_402 : vector<16xf32>
      %eq3A_404 = arith.cmpi eq, %gather3A_79, %gather3A : vector<16xi32>
      %eq3A_405 = arith.cmpi eq, %gather3A_79, %gather3A_34 : vector<16xi32>
      %or3A_406 = arith.ori %eq3A_404, %eq3A_405 : vector<16xi1>
      %eq3A_407 = arith.cmpi eq, %gather3A_79, %gather3A_37 : vector<16xi32>
      %or3A_408 = arith.ori %or3A_406, %eq3A_407 : vector<16xi1>
      %eq3A_409 = arith.cmpi eq, %gather3A_79, %gather3A_40 : vector<16xi32>
      %or3A_410 = arith.ori %or3A_408, %eq3A_409 : vector<16xi1>
      %eq3A_411 = arith.cmpi eq, %gather3A_79, %gather3A_43 : vector<16xi32>
      %or3A_412 = arith.ori %or3A_410, %eq3A_411 : vector<16xi1>
      %eq3A_413 = arith.cmpi eq, %gather3A_79, %gather3A_46 : vector<16xi32>
      %or3A_414 = arith.ori %or3A_412, %eq3A_413 : vector<16xi1>
      %eq3A_415 = arith.cmpi eq, %gather3A_79, %gather3A_49 : vector<16xi32>
      %or3A_416 = arith.ori %or3A_414, %eq3A_415 : vector<16xi1>
      %eq3A_417 = arith.cmpi eq, %gather3A_79, %gather3A_52 : vector<16xi32>
      %or3A_418 = arith.ori %or3A_416, %eq3A_417 : vector<16xi1>
      %eq3A_419 = arith.cmpi eq, %gather3A_79, %gather3A_55 : vector<16xi32>
      %or3A_420 = arith.ori %or3A_418, %eq3A_419 : vector<16xi1>
      %eq3A_421 = arith.cmpi eq, %gather3A_79, %gather3A_58 : vector<16xi32>
      %or3A_422 = arith.ori %or3A_420, %eq3A_421 : vector<16xi1>
      %eq3A_423 = arith.cmpi eq, %gather3A_79, %gather3A_61 : vector<16xi32>
      %or3A_424 = arith.ori %or3A_422, %eq3A_423 : vector<16xi1>
      %eq3A_425 = arith.cmpi eq, %gather3A_79, %gather3A_64 : vector<16xi32>
      %or3A_426 = arith.ori %or3A_424, %eq3A_425 : vector<16xi1>
      %eq3A_427 = arith.cmpi eq, %gather3A_79, %gather3A_67 : vector<16xi32>
      %or3A_428 = arith.ori %or3A_426, %eq3A_427 : vector<16xi1>
      %eq3A_429 = arith.cmpi eq, %gather3A_79, %gather3A_70 : vector<16xi32>
      %or3A_430 = arith.ori %or3A_428, %eq3A_429 : vector<16xi1>
      %eq3A_431 = arith.cmpi eq, %gather3A_79, %gather3A_73 : vector<16xi32>
      %or3A_432 = arith.ori %or3A_430, %eq3A_431 : vector<16xi1>
      %eq3A_433 = arith.cmpi eq, %gather3A_79, %gather3A_76 : vector<16xi32>
      %or3A_434 = arith.ori %or3A_432, %eq3A_433 : vector<16xi1>
      %gather3A_435 = tpu.vector_load_idx %arg12[%gather3A_79] : memref<1000xf32, #tpu.memory_space<vmem>>[vector<16xi32>], vector<16xf32>,
      %jit3A_436 = arith.constant 0.000000e+00 : f32
      %broadcast_in_dim3A_437 = vector.broadcast %jit3A_436 : f32 to vector<16xf32>
      %select_n3A_438 = arith.select %or3A_434, %broadcast_in_dim3A_437, %gather3A_435 : vector<16xi1>, vector<16xf32>
      %add3A_439 = arith.addf %add3A_403, %select_n3A_438 : vector<16xf32>
      %eq3A_440 = arith.cmpi eq, %gather3A_82, %gather3A : vector<16xi32>
      %eq3A_441 = arith.cmpi eq, %gather3A_82, %gather3A_34 : vector<16xi32>
      %or3A_442 = arith.ori %eq3A_440, %eq3A_441 : vector<16xi1>
      %eq3A_443 = arith.cmpi eq, %gather3A_82, %gather3A_37 : vector<16xi32>
      %or3A_444 = arith.ori %or3A_442, %eq3A_443 : vector<16xi1>
      %eq3A_445 = arith.cmpi eq, %gather3A_82, %gather3A_40 : vector<16xi32>
      %or3A_446 = arith.ori %or3A_444, %eq3A_445 : vector<16xi1>
      %eq3A_447 = arith.cmpi eq, %gather3A_82, %gather3A_43 : vector<16xi32>
      %or3A_448 = arith.ori %or3A_446, %eq3A_447 : vector<16xi1>
      %eq3A_449 = arith.cmpi eq, %gather3A_82, %gather3A_46 : vector<16xi32>
      %or3A_450 = arith.ori %or3A_448, %eq3A_449 : vector<16xi1>
      %eq3A_451 = arith.cmpi eq, %gather3A_82, %gather3A_49 : vector<16xi32>
      %or3A_452 = arith.ori %or3A_450, %eq3A_451 : vector<16xi1>
      %eq3A_453 = arith.cmpi eq, %gather3A_82, %gather3A_52 : vector<16xi32>
      %or3A_454 = arith.ori %or3A_452, %eq3A_453 : vector<16xi1>
      %eq3A_455 = arith.cmpi eq, %gather3A_82, %gather3A_55 : vector<16xi32>
      %or3A_456 = arith.ori %or3A_454, %eq3A_455 : vector<16xi1>
      %eq3A_457 = arith.cmpi eq, %gather3A_82, %gather3A_58 : vector<16xi32>
      %or3A_458 = arith.ori %or3A_456, %eq3A_457 : vector<16xi1>
      %eq3A_459 = arith.cmpi eq, %gather3A_82, %gather3A_61 : vector<16xi32>
      %or3A_460 = arith.ori %or3A_458, %eq3A_459 : vector<16xi1>
      %eq3A_461 = arith.cmpi eq, %gather3A_82, %gather3A_64 : vector<16xi32>
      %or3A_462 = arith.ori %or3A_460, %eq3A_461 : vector<16xi1>
      %eq3A_463 = arith.cmpi eq, %gather3A_82, %gather3A_67 : vector<16xi32>
      %or3A_464 = arith.ori %or3A_462, %eq3A_463 : vector<16xi1>
      %eq3A_465 = arith.cmpi eq, %gather3A_82, %gather3A_70 : vector<16xi32>
      %or3A_466 = arith.ori %or3A_464, %eq3A_465 : vector<16xi1>
      %eq3A_467 = arith.cmpi eq, %gather3A_82, %gather3A_73 : vector<16xi32>
      %or3A_468 = arith.ori %or3A_466, %eq3A_467 : vector<16xi1>
      %eq3A_469 = arith.cmpi eq, %gather3A_82, %gather3A_76 : vector<16xi32>
      %or3A_470 = arith.ori %or3A_468, %eq3A_469 : vector<16xi1>
      %eq3A_471 = arith.cmpi eq, %gather3A_82, %gather3A_79 : vector<16xi32>
      %or3A_472 = arith.ori %or3A_470, %eq3A_471 : vector<16xi1>
      %gather3A_473 = tpu.vector_load_idx %arg12[%gather3A_82] : memref<1000xf32, #tpu.memory_space<vmem>>[vector<16xi32>], vector<16xf32>,
      %jit3A_474 = arith.constant 0.000000e+00 : f32
      %broadcast_in_dim3A_475 = vector.broadcast %jit3A_474 : f32 to vector<16xf32>
      %select_n3A_476 = arith.select %or3A_472, %broadcast_in_dim3A_475, %gather3A_473 : vector<16xi1>, vector<16xf32>
      %add3A_477 = arith.addf %add3A_439, %select_n3A_476 : vector<16xf32>
      %eq3A_478 = arith.cmpi eq, %gather3A_85, %gather3A : vector<16xi32>
      %eq3A_479 = arith.cmpi eq, %gather3A_85, %gather3A_34 : vector<16xi32>
      %or3A_480 = arith.ori %eq3A_478, %eq3A_479 : vector<16xi1>
      %eq3A_481 = arith.cmpi eq, %gather3A_85, %gather3A_37 : vector<16xi32>
      %or3A_482 = arith.ori %or3A_480, %eq3A_481 : vector<16xi1>
      %eq3A_483 = arith.cmpi eq, %gather3A_85, %gather3A_40 : vector<16xi32>
      %or3A_484 = arith.ori %or3A_482, %eq3A_483 : vector<16xi1>
      %eq3A_485 = arith.cmpi eq, %gather3A_85, %gather3A_43 : vector<16xi32>
      %or3A_486 = arith.ori %or3A_484, %eq3A_485 : vector<16xi1>
      %eq3A_487 = arith.cmpi eq, %gather3A_85, %gather3A_46 : vector<16xi32>
      %or3A_488 = arith.ori %or3A_486, %eq3A_487 : vector<16xi1>
      %eq3A_489 = arith.cmpi eq, %gather3A_85, %gather3A_49 : vector<16xi32>
      %or3A_490 = arith.ori %or3A_488, %eq3A_489 : vector<16xi1>
      %eq3A_491 = arith.cmpi eq, %gather3A_85, %gather3A_52 : vector<16xi32>
      %or3A_492 = arith.ori %or3A_490, %eq3A_491 : vector<16xi1>
      %eq3A_493 = arith.cmpi eq, %gather3A_85, %gather3A_55 : vector<16xi32>
      %or3A_494 = arith.ori %or3A_492, %eq3A_493 : vector<16xi1>
      %eq3A_495 = arith.cmpi eq, %gather3A_85, %gather3A_58 : vector<16xi32>
      %or3A_496 = arith.ori %or3A_494, %eq3A_495 : vector<16xi1>
      %eq3A_497 = arith.cmpi eq, %gather3A_85, %gather3A_61 : vector<16xi32>
      %or3A_498 = arith.ori %or3A_496, %eq3A_497 : vector<16xi1>
      %eq3A_499 = arith.cmpi eq, %gather3A_85, %gather3A_64 : vector<16xi32>
      %or3A_500 = arith.ori %or3A_498, %eq3A_499 : vector<16xi1>
      %eq3A_501 = arith.cmpi eq, %gather3A_85, %gather3A_67 : vector<16xi32>
      %or3A_502 = arith.ori %or3A_500, %eq3A_501 : vector<16xi1>
      %eq3A_503 = arith.cmpi eq, %gather3A_85, %gather3A_70 : vector<16xi32>
      %or3A_504 = arith.ori %or3A_502, %eq3A_503 : vector<16xi1>
      %eq3A_505 = arith.cmpi eq, %gather3A_85, %gather3A_73 : vector<16xi32>
      %or3A_506 = arith.ori %or3A_504, %eq3A_505 : vector<16xi1>
      %eq3A_507 = arith.cmpi eq, %gather3A_85, %gather3A_76 : vector<16xi32>
      %or3A_508 = arith.ori %or3A_506, %eq3A_507 : vector<16xi1>
      %eq3A_509 = arith.cmpi eq, %gather3A_85, %gather3A_79 : vector<16xi32>
      %or3A_510 = arith.ori %or3A_508, %eq3A_509 : vector<16xi1>
      %eq3A_511 = arith.cmpi eq, %gather3A_85, %gather3A_82 : vector<16xi32>
      %or3A_512 = arith.ori %or3A_510, %eq3A_511 : vector<16xi1>
      %gather3A_513 = tpu.vector_load_idx %arg12[%gather3A_85] : memref<1000xf32, #tpu.memory_space<vmem>>[vector<16xi32>], vector<16xf32>,
      %jit3A_514 = arith.constant 0.000000e+00 : f32
      %broadcast_in_dim3A_515 = vector.broadcast %jit3A_514 : f32 to vector<16xf32>
      %select_n3A_516 = arith.select %or3A_512, %broadcast_in_dim3A_515, %gather3A_513 : vector<16xi1>, vector<16xf32>
      %add3A_517 = arith.addf %add3A_477, %select_n3A_516 : vector<16xf32>
      %eq3A_518 = arith.cmpi eq, %gather3A_88, %gather3A : vector<16xi32>
      %eq3A_519 = arith.cmpi eq, %gather3A_88, %gather3A_34 : vector<16xi32>
      %or3A_520 = arith.ori %eq3A_518, %eq3A_519 : vector<16xi1>
      %eq3A_521 = arith.cmpi eq, %gather3A_88, %gather3A_37 : vector<16xi32>
      %or3A_522 = arith.ori %or3A_520, %eq3A_521 : vector<16xi1>
      %eq3A_523 = arith.cmpi eq, %gather3A_88, %gather3A_40 : vector<16xi32>
      %or3A_524 = arith.ori %or3A_522, %eq3A_523 : vector<16xi1>
      %eq3A_525 = arith.cmpi eq, %gather3A_88, %gather3A_43 : vector<16xi32>
      %or3A_526 = arith.ori %or3A_524, %eq3A_525 : vector<16xi1>
      %eq3A_527 = arith.cmpi eq, %gather3A_88, %gather3A_46 : vector<16xi32>
      %or3A_528 = arith.ori %or3A_526, %eq3A_527 : vector<16xi1>
      %eq3A_529 = arith.cmpi eq, %gather3A_88, %gather3A_49 : vector<16xi32>
      %or3A_530 = arith.ori %or3A_528, %eq3A_529 : vector<16xi1>
      %eq3A_531 = arith.cmpi eq, %gather3A_88, %gather3A_52 : vector<16xi32>
      %or3A_532 = arith.ori %or3A_530, %eq3A_531 : vector<16xi1>
      %eq3A_533 = arith.cmpi eq, %gather3A_88, %gather3A_55 : vector<16xi32>
      %or3A_534 = arith.ori %or3A_532, %eq3A_533 : vector<16xi1>
      %eq3A_535 = arith.cmpi eq, %gather3A_88, %gather3A_58 : vector<16xi32>
      %or3A_536 = arith.ori %or3A_534, %eq3A_535 : vector<16xi1>
      %eq3A_537 = arith.cmpi eq, %gather3A_88, %gather3A_61 : vector<16xi32>
      %or3A_538 = arith.ori %or3A_536, %eq3A_537 : vector<16xi1>
      %eq3A_539 = arith.cmpi eq, %gather3A_88, %gather3A_64 : vector<16xi32>
      %or3A_540 = arith.ori %or3A_538, %eq3A_539 : vector<16xi1>
      %eq3A_541 = arith.cmpi eq, %gather3A_88, %gather3A_67 : vector<16xi32>
      %or3A_542 = arith.ori %or3A_540, %eq3A_541 : vector<16xi1>
      %eq3A_543 = arith.cmpi eq, %gather3A_88, %gather3A_70 : vector<16xi32>
      %or3A_544 = arith.ori %or3A_542, %eq3A_543 : vector<16xi1>
      %eq3A_545 = arith.cmpi eq, %gather3A_88, %gather3A_73 : vector<16xi32>
      %or3A_546 = arith.ori %or3A_544, %eq3A_545 : vector<16xi1>
      %eq3A_547 = arith.cmpi eq, %gather3A_88, %gather3A_76 : vector<16xi32>
      %or3A_548 = arith.ori %or3A_546, %eq3A_547 : vector<16xi1>
      %eq3A_549 = arith.cmpi eq, %gather3A_88, %gather3A_79 : vector<16xi32>
      %or3A_550 = arith.ori %or3A_548, %eq3A_549 : vector<16xi1>
      %eq3A_551 = arith.cmpi eq, %gather3A_88, %gather3A_82 : vector<16xi32>
      %or3A_552 = arith.ori %or3A_550, %eq3A_551 : vector<16xi1>
      %eq3A_553 = arith.cmpi eq, %gather3A_88, %gather3A_85 : vector<16xi32>
      %or3A_554 = arith.ori %or3A_552, %eq3A_553 : vector<16xi1>
      %gather3A_555 = tpu.vector_load_idx %arg12[%gather3A_88] : memref<1000xf32, #tpu.memory_space<vmem>>[vector<16xi32>], vector<16xf32>,
      %jit3A_556 = arith.constant 0.000000e+00 : f32
      %broadcast_in_dim3A_557 = vector.broadcast %jit3A_556 : f32 to vector<16xf32>
      %select_n3A_558 = arith.select %or3A_554, %broadcast_in_dim3A_557, %gather3A_555 : vector<16xi1>, vector<16xf32>
      %add3A_559 = arith.addf %add3A_517, %select_n3A_558 : vector<16xf32>
      %eq3A_560 = arith.cmpi eq, %gather3A_91, %gather3A : vector<16xi32>
      %eq3A_561 = arith.cmpi eq, %gather3A_91, %gather3A_34 : vector<16xi32>
      %or3A_562 = arith.ori %eq3A_560, %eq3A_561 : vector<16xi1>
      %eq3A_563 = arith.cmpi eq, %gather3A_91, %gather3A_37 : vector<16xi32>
      %or3A_564 = arith.ori %or3A_562, %eq3A_563 : vector<16xi1>
      %eq3A_565 = arith.cmpi eq, %gather3A_91, %gather3A_40 : vector<16xi32>
      %or3A_566 = arith.ori %or3A_564, %eq3A_565 : vector<16xi1>
      %eq3A_567 = arith.cmpi eq, %gather3A_91, %gather3A_43 : vector<16xi32>
      %or3A_568 = arith.ori %or3A_566, %eq3A_567 : vector<16xi1>
      %eq3A_569 = arith.cmpi eq, %gather3A_91, %gather3A_46 : vector<16xi32>
      %or3A_570 = arith.ori %or3A_568, %eq3A_569 : vector<16xi1>
      %eq3A_571 = arith.cmpi eq, %gather3A_91, %gather3A_49 : vector<16xi32>
      %or3A_572 = arith.ori %or3A_570, %eq3A_571 : vector<16xi1>
      %eq3A_573 = arith.cmpi eq, %gather3A_91, %gather3A_52 : vector<16xi32>
      %or3A_574 = arith.ori %or3A_572, %eq3A_573 : vector<16xi1>
      %eq3A_575 = arith.cmpi eq, %gather3A_91, %gather3A_55 : vector<16xi32>
      %or3A_576 = arith.ori %or3A_574, %eq3A_575 : vector<16xi1>
      %eq3A_577 = arith.cmpi eq, %gather3A_91, %gather3A_58 : vector<16xi32>
      %or3A_578 = arith.ori %or3A_576, %eq3A_577 : vector<16xi1>
      %eq3A_579 = arith.cmpi eq, %gather3A_91, %gather3A_61 : vector<16xi32>
      %or3A_580 = arith.ori %or3A_578, %eq3A_579 : vector<16xi1>
      %eq3A_581 = arith.cmpi eq, %gather3A_91, %gather3A_64 : vector<16xi32>
      %or3A_582 = arith.ori %or3A_580, %eq3A_581 : vector<16xi1>
      %eq3A_583 = arith.cmpi eq, %gather3A_91, %gather3A_67 : vector<16xi32>
      %or3A_584 = arith.ori %or3A_582, %eq3A_583 : vector<16xi1>
      %eq3A_585 = arith.cmpi eq, %gather3A_91, %gather3A_70 : vector<16xi32>
      %or3A_586 = arith.ori %or3A_584, %eq3A_585 : vector<16xi1>
      %eq3A_587 = arith.cmpi eq, %gather3A_91, %gather3A_73 : vector<16xi32>
      %or3A_588 = arith.ori %or3A_586, %eq3A_587 : vector<16xi1>
      %eq3A_589 = arith.cmpi eq, %gather3A_91, %gather3A_76 : vector<16xi32>
      %or3A_590 = arith.ori %or3A_588, %eq3A_589 : vector<16xi1>
      %eq3A_591 = arith.cmpi eq, %gather3A_91, %gather3A_79 : vector<16xi32>
      %or3A_592 = arith.ori %or3A_590, %eq3A_591 : vector<16xi1>
      %eq3A_593 = arith.cmpi eq, %gather3A_91, %gather3A_82 : vector<16xi32>
      %or3A_594 = arith.ori %or3A_592, %eq3A_593 : vector<16xi1>
      %eq3A_595 = arith.cmpi eq, %gather3A_91, %gather3A_85 : vector<16xi32>
      %or3A_596 = arith.ori %or3A_594, %eq3A_595 : vector<16xi1>
      %eq3A_597 = arith.cmpi eq, %gather3A_91, %gather3A_88 : vector<16xi32>
      %or3A_598 = arith.ori %or3A_596, %eq3A_597 : vector<16xi1>
      %gather3A_599 = tpu.vector_load_idx %arg12[%gather3A_91] : memref<1000xf32, #tpu.memory_space<vmem>>[vector<16xi32>], vector<16xf32>,
      %jit3A_600 = arith.constant 0.000000e+00 : f32
      %broadcast_in_dim3A_601 = vector.broadcast %jit3A_600 : f32 to vector<16xf32>
      %select_n3A_602 = arith.select %or3A_598, %broadcast_in_dim3A_601, %gather3A_599 : vector<16xi1>, vector<16xf32>
      %add3A_603 = arith.addf %add3A_559, %select_n3A_602 : vector<16xf32>
      %eq3A_604 = arith.cmpi eq, %gather3A_94, %gather3A : vector<16xi32>
      %eq3A_605 = arith.cmpi eq, %gather3A_94, %gather3A_34 : vector<16xi32>
      %or3A_606 = arith.ori %eq3A_604, %eq3A_605 : vector<16xi1>
      %eq3A_607 = arith.cmpi eq, %gather3A_94, %gather3A_37 : vector<16xi32>
      %or3A_608 = arith.ori %or3A_606, %eq3A_607 : vector<16xi1>
      %eq3A_609 = arith.cmpi eq, %gather3A_94, %gather3A_40 : vector<16xi32>
      %or3A_610 = arith.ori %or3A_608, %eq3A_609 : vector<16xi1>
      %eq3A_611 = arith.cmpi eq, %gather3A_94, %gather3A_43 : vector<16xi32>
      %or3A_612 = arith.ori %or3A_610, %eq3A_611 : vector<16xi1>
      %eq3A_613 = arith.cmpi eq, %gather3A_94, %gather3A_46 : vector<16xi32>
      %or3A_614 = arith.ori %or3A_612, %eq3A_613 : vector<16xi1>
      %eq3A_615 = arith.cmpi eq, %gather3A_94, %gather3A_49 : vector<16xi32>
      %or3A_616 = arith.ori %or3A_614, %eq3A_615 : vector<16xi1>
      %eq3A_617 = arith.cmpi eq, %gather3A_94, %gather3A_52 : vector<16xi32>
      %or3A_618 = arith.ori %or3A_616, %eq3A_617 : vector<16xi1>
      %eq3A_619 = arith.cmpi eq, %gather3A_94, %gather3A_55 : vector<16xi32>
      %or3A_620 = arith.ori %or3A_618, %eq3A_619 : vector<16xi1>
      %eq3A_621 = arith.cmpi eq, %gather3A_94, %gather3A_58 : vector<16xi32>
      %or3A_622 = arith.ori %or3A_620, %eq3A_621 : vector<16xi1>
      %eq3A_623 = arith.cmpi eq, %gather3A_94, %gather3A_61 : vector<16xi32>
      %or3A_624 = arith.ori %or3A_622, %eq3A_623 : vector<16xi1>
      %eq3A_625 = arith.cmpi eq, %gather3A_94, %gather3A_64 : vector<16xi32>
      %or3A_626 = arith.ori %or3A_624, %eq3A_625 : vector<16xi1>
      %eq3A_627 = arith.cmpi eq, %gather3A_94, %gather3A_67 : vector<16xi32>
      %or3A_628 = arith.ori %or3A_626, %eq3A_627 : vector<16xi1>
      %eq3A_629 = arith.cmpi eq, %gather3A_94, %gather3A_70 : vector<16xi32>
      %or3A_630 = arith.ori %or3A_628, %eq3A_629 : vector<16xi1>
      %eq3A_631 = arith.cmpi eq, %gather3A_94, %gather3A_73 : vector<16xi32>
      %or3A_632 = arith.ori %or3A_630, %eq3A_631 : vector<16xi1>
      %eq3A_633 = arith.cmpi eq, %gather3A_94, %gather3A_76 : vector<16xi32>
      %or3A_634 = arith.ori %or3A_632, %eq3A_633 : vector<16xi1>
      %eq3A_635 = arith.cmpi eq, %gather3A_94, %gather3A_79 : vector<16xi32>
      %or3A_636 = arith.ori %or3A_634, %eq3A_635 : vector<16xi1>
      %eq3A_637 = arith.cmpi eq, %gather3A_94, %gather3A_82 : vector<16xi32>
      %or3A_638 = arith.ori %or3A_636, %eq3A_637 : vector<16xi1>
      %eq3A_639 = arith.cmpi eq, %gather3A_94, %gather3A_85 : vector<16xi32>
      %or3A_640 = arith.ori %or3A_638, %eq3A_639 : vector<16xi1>
      %eq3A_641 = arith.cmpi eq, %gather3A_94, %gather3A_88 : vector<16xi32>
      %or3A_642 = arith.ori %or3A_640, %eq3A_641 : vector<16xi1>
      %eq3A_643 = arith.cmpi eq, %gather3A_94, %gather3A_91 : vector<16xi32>
      %or3A_644 = arith.ori %or3A_642, %eq3A_643 : vector<16xi1>
      %gather3A_645 = tpu.vector_load_idx %arg12[%gather3A_94] : memref<1000xf32, #tpu.memory_space<vmem>>[vector<16xi32>], vector<16xf32>,
      %jit3A_646 = arith.constant 0.000000e+00 : f32
      %broadcast_in_dim3A_647 = vector.broadcast %jit3A_646 : f32 to vector<16xf32>
      %select_n3A_648 = arith.select %or3A_644, %broadcast_in_dim3A_647, %gather3A_645 : vector<16xi1>, vector<16xf32>
      %add3A_649 = arith.addf %add3A_603, %select_n3A_648 : vector<16xf32>
      %eq3A_650 = arith.cmpi eq, %gather3A_97, %gather3A : vector<16xi32>
      %eq3A_651 = arith.cmpi eq, %gather3A_97, %gather3A_34 : vector<16xi32>
      %or3A_652 = arith.ori %eq3A_650, %eq3A_651 : vector<16xi1>
      %eq3A_653 = arith.cmpi eq, %gather3A_97, %gather3A_37 : vector<16xi32>
      %or3A_654 = arith.ori %or3A_652, %eq3A_653 : vector<16xi1>
      %eq3A_655 = arith.cmpi eq, %gather3A_97, %gather3A_40 : vector<16xi32>
      %or3A_656 = arith.ori %or3A_654, %eq3A_655 : vector<16xi1>
      %eq3A_657 = arith.cmpi eq, %gather3A_97, %gather3A_43 : vector<16xi32>
      %or3A_658 = arith.ori %or3A_656, %eq3A_657 : vector<16xi1>
      %eq3A_659 = arith.cmpi eq, %gather3A_97, %gather3A_46 : vector<16xi32>
      %or3A_660 = arith.ori %or3A_658, %eq3A_659 : vector<16xi1>
      %eq3A_661 = arith.cmpi eq, %gather3A_97, %gather3A_49 : vector<16xi32>
      %or3A_662 = arith.ori %or3A_660, %eq3A_661 : vector<16xi1>
      %eq3A_663 = arith.cmpi eq, %gather3A_97, %gather3A_52 : vector<16xi32>
      %or3A_664 = arith.ori %or3A_662, %eq3A_663 : vector<16xi1>
      %eq3A_665 = arith.cmpi eq, %gather3A_97, %gather3A_55 : vector<16xi32>
      %or3A_666 = arith.ori %or3A_664, %eq3A_665 : vector<16xi1>
      %eq3A_667 = arith.cmpi eq, %gather3A_97, %gather3A_58 : vector<16xi32>
      %or3A_668 = arith.ori %or3A_666, %eq3A_667 : vector<16xi1>
      %eq3A_669 = arith.cmpi eq, %gather3A_97, %gather3A_61 : vector<16xi32>
      %or3A_670 = arith.ori %or3A_668, %eq3A_669 : vector<16xi1>
      %eq3A_671 = arith.cmpi eq, %gather3A_97, %gather3A_64 : vector<16xi32>
      %or3A_672 = arith.ori %or3A_670, %eq3A_671 : vector<16xi1>
      %eq3A_673 = arith.cmpi eq, %gather3A_97, %gather3A_67 : vector<16xi32>
      %or3A_674 = arith.ori %or3A_672, %eq3A_673 : vector<16xi1>
      %eq3A_675 = arith.cmpi eq, %gather3A_97, %gather3A_70 : vector<16xi32>
      %or3A_676 = arith.ori %or3A_674, %eq3A_675 : vector<16xi1>
      %eq3A_677 = arith.cmpi eq, %gather3A_97, %gather3A_73 : vector<16xi32>
      %or3A_678 = arith.ori %or3A_676, %eq3A_677 : vector<16xi1>
      %eq3A_679 = arith.cmpi eq, %gather3A_97, %gather3A_76 : vector<16xi32>
      %or3A_680 = arith.ori %or3A_678, %eq3A_679 : vector<16xi1>
      %eq3A_681 = arith.cmpi eq, %gather3A_97, %gather3A_79 : vector<16xi32>
      %or3A_682 = arith.ori %or3A_680, %eq3A_681 : vector<16xi1>
      %eq3A_683 = arith.cmpi eq, %gather3A_97, %gather3A_82 : vector<16xi32>
      %or3A_684 = arith.ori %or3A_682, %eq3A_683 : vector<16xi1>
      %eq3A_685 = arith.cmpi eq, %gather3A_97, %gather3A_85 : vector<16xi32>
      %or3A_686 = arith.ori %or3A_684, %eq3A_685 : vector<16xi1>
      %eq3A_687 = arith.cmpi eq, %gather3A_97, %gather3A_88 : vector<16xi32>
      %or3A_688 = arith.ori %or3A_686, %eq3A_687 : vector<16xi1>
      %eq3A_689 = arith.cmpi eq, %gather3A_97, %gather3A_91 : vector<16xi32>
      %or3A_690 = arith.ori %or3A_688, %eq3A_689 : vector<16xi1>
      %eq3A_691 = arith.cmpi eq, %gather3A_97, %gather3A_94 : vector<16xi32>
      %or3A_692 = arith.ori %or3A_690, %eq3A_691 : vector<16xi1>
      %gather3A_693 = tpu.vector_load_idx %arg12[%gather3A_97] : memref<1000xf32, #tpu.memory_space<vmem>>[vector<16xi32>], vector<16xf32>,
      %jit3A_694 = arith.constant 0.000000e+00 : f32
      %broadcast_in_dim3A_695 = vector.broadcast %jit3A_694 : f32 to vector<16xf32>
      %select_n3A_696 = arith.select %or3A_692, %broadcast_in_dim3A_695, %gather3A_693 : vector<16xi1>, vector<16xf32>
      %add3A_697 = arith.addf %add3A_649, %select_n3A_696 : vector<16xf32>
      %eq3A_698 = arith.cmpi eq, %gather3A_100, %gather3A : vector<16xi32>
      %eq3A_699 = arith.cmpi eq, %gather3A_100, %gather3A_34 : vector<16xi32>
      %or3A_700 = arith.ori %eq3A_698, %eq3A_699 : vector<16xi1>
      %eq3A_701 = arith.cmpi eq, %gather3A_100, %gather3A_37 : vector<16xi32>
      %or3A_702 = arith.ori %or3A_700, %eq3A_701 : vector<16xi1>
      %eq3A_703 = arith.cmpi eq, %gather3A_100, %gather3A_40 : vector<16xi32>
      %or3A_704 = arith.ori %or3A_702, %eq3A_703 : vector<16xi1>
      %eq3A_705 = arith.cmpi eq, %gather3A_100, %gather3A_43 : vector<16xi32>
      %or3A_706 = arith.ori %or3A_704, %eq3A_705 : vector<16xi1>
      %eq3A_707 = arith.cmpi eq, %gather3A_100, %gather3A_46 : vector<16xi32>
      %or3A_708 = arith.ori %or3A_706, %eq3A_707 : vector<16xi1>
      %eq3A_709 = arith.cmpi eq, %gather3A_100, %gather3A_49 : vector<16xi32>
      %or3A_710 = arith.ori %or3A_708, %eq3A_709 : vector<16xi1>
      %eq3A_711 = arith.cmpi eq, %gather3A_100, %gather3A_52 : vector<16xi32>
      %or3A_712 = arith.ori %or3A_710, %eq3A_711 : vector<16xi1>
      %eq3A_713 = arith.cmpi eq, %gather3A_100, %gather3A_55 : vector<16xi32>
      %or3A_714 = arith.ori %or3A_712, %eq3A_713 : vector<16xi1>
      %eq3A_715 = arith.cmpi eq, %gather3A_100, %gather3A_58 : vector<16xi32>
      %or3A_716 = arith.ori %or3A_714, %eq3A_715 : vector<16xi1>
      %eq3A_717 = arith.cmpi eq, %gather3A_100, %gather3A_61 : vector<16xi32>
      %or3A_718 = arith.ori %or3A_716, %eq3A_717 : vector<16xi1>
      %eq3A_719 = arith.cmpi eq, %gather3A_100, %gather3A_64 : vector<16xi32>
      %or3A_720 = arith.ori %or3A_718, %eq3A_719 : vector<16xi1>
      %eq3A_721 = arith.cmpi eq, %gather3A_100, %gather3A_67 : vector<16xi32>
      %or3A_722 = arith.ori %or3A_720, %eq3A_721 : vector<16xi1>
      %eq3A_723 = arith.cmpi eq, %gather3A_100, %gather3A_70 : vector<16xi32>
      %or3A_724 = arith.ori %or3A_722, %eq3A_723 : vector<16xi1>
      %eq3A_725 = arith.cmpi eq, %gather3A_100, %gather3A_73 : vector<16xi32>
      %or3A_726 = arith.ori %or3A_724, %eq3A_725 : vector<16xi1>
      %eq3A_727 = arith.cmpi eq, %gather3A_100, %gather3A_76 : vector<16xi32>
      %or3A_728 = arith.ori %or3A_726, %eq3A_727 : vector<16xi1>
      %eq3A_729 = arith.cmpi eq, %gather3A_100, %gather3A_79 : vector<16xi32>
      %or3A_730 = arith.ori %or3A_728, %eq3A_729 : vector<16xi1>
      %eq3A_731 = arith.cmpi eq, %gather3A_100, %gather3A_82 : vector<16xi32>
      %or3A_732 = arith.ori %or3A_730, %eq3A_731 : vector<16xi1>
      %eq3A_733 = arith.cmpi eq, %gather3A_100, %gather3A_85 : vector<16xi32>
      %or3A_734 = arith.ori %or3A_732, %eq3A_733 : vector<16xi1>
      %eq3A_735 = arith.cmpi eq, %gather3A_100, %gather3A_88 : vector<16xi32>
      %or3A_736 = arith.ori %or3A_734, %eq3A_735 : vector<16xi1>
      %eq3A_737 = arith.cmpi eq, %gather3A_100, %gather3A_91 : vector<16xi32>
      %or3A_738 = arith.ori %or3A_736, %eq3A_737 : vector<16xi1>
      %eq3A_739 = arith.cmpi eq, %gather3A_100, %gather3A_94 : vector<16xi32>
      %or3A_740 = arith.ori %or3A_738, %eq3A_739 : vector<16xi1>
      %eq3A_741 = arith.cmpi eq, %gather3A_100, %gather3A_97 : vector<16xi32>
      %or3A_742 = arith.ori %or3A_740, %eq3A_741 : vector<16xi1>
      %gather3A_743 = tpu.vector_load_idx %arg12[%gather3A_100] : memref<1000xf32, #tpu.memory_space<vmem>>[vector<16xi32>], vector<16xf32>,
      %jit3A_744 = arith.constant 0.000000e+00 : f32
      %broadcast_in_dim3A_745 = vector.broadcast %jit3A_744 : f32 to vector<16xf32>
      %select_n3A_746 = arith.select %or3A_742, %broadcast_in_dim3A_745, %gather3A_743 : vector<16xi1>, vector<16xf32>
      %add3A_747 = arith.addf %add3A_697, %select_n3A_746 : vector<16xf32>
      %eq3A_748 = arith.cmpi eq, %gather3A_103, %gather3A : vector<16xi32>
      %eq3A_749 = arith.cmpi eq, %gather3A_103, %gather3A_34 : vector<16xi32>
      %or3A_750 = arith.ori %eq3A_748, %eq3A_749 : vector<16xi1>
      %eq3A_751 = arith.cmpi eq, %gather3A_103, %gather3A_37 : vector<16xi32>
      %or3A_752 = arith.ori %or3A_750, %eq3A_751 : vector<16xi1>
      %eq3A_753 = arith.cmpi eq, %gather3A_103, %gather3A_40 : vector<16xi32>
      %or3A_754 = arith.ori %or3A_752, %eq3A_753 : vector<16xi1>
      %eq3A_755 = arith.cmpi eq, %gather3A_103, %gather3A_43 : vector<16xi32>
      %or3A_756 = arith.ori %or3A_754, %eq3A_755 : vector<16xi1>
      %eq3A_757 = arith.cmpi eq, %gather3A_103, %gather3A_46 : vector<16xi32>
      %or3A_758 = arith.ori %or3A_756, %eq3A_757 : vector<16xi1>
      %eq3A_759 = arith.cmpi eq, %gather3A_103, %gather3A_49 : vector<16xi32>
      %or3A_760 = arith.ori %or3A_758, %eq3A_759 : vector<16xi1>
      %eq3A_761 = arith.cmpi eq, %gather3A_103, %gather3A_52 : vector<16xi32>
      %or3A_762 = arith.ori %or3A_760, %eq3A_761 : vector<16xi1>
      %eq3A_763 = arith.cmpi eq, %gather3A_103, %gather3A_55 : vector<16xi32>
      %or3A_764 = arith.ori %or3A_762, %eq3A_763 : vector<16xi1>
      %eq3A_765 = arith.cmpi eq, %gather3A_103, %gather3A_58 : vector<16xi32>
      %or3A_766 = arith.ori %or3A_764, %eq3A_765 : vector<16xi1>
      %eq3A_767 = arith.cmpi eq, %gather3A_103, %gather3A_61 : vector<16xi32>
      %or3A_768 = arith.ori %or3A_766, %eq3A_767 : vector<16xi1>
      %eq3A_769 = arith.cmpi eq, %gather3A_103, %gather3A_64 : vector<16xi32>
      %or3A_770 = arith.ori %or3A_768, %eq3A_769 : vector<16xi1>
      %eq3A_771 = arith.cmpi eq, %gather3A_103, %gather3A_67 : vector<16xi32>
      %or3A_772 = arith.ori %or3A_770, %eq3A_771 : vector<16xi1>
      %eq3A_773 = arith.cmpi eq, %gather3A_103, %gather3A_70 : vector<16xi32>
      %or3A_774 = arith.ori %or3A_772, %eq3A_773 : vector<16xi1>
      %eq3A_775 = arith.cmpi eq, %gather3A_103, %gather3A_73 : vector<16xi32>
      %or3A_776 = arith.ori %or3A_774, %eq3A_775 : vector<16xi1>
      %eq3A_777 = arith.cmpi eq, %gather3A_103, %gather3A_76 : vector<16xi32>
      %or3A_778 = arith.ori %or3A_776, %eq3A_777 : vector<16xi1>
      %eq3A_779 = arith.cmpi eq, %gather3A_103, %gather3A_79 : vector<16xi32>
      %or3A_780 = arith.ori %or3A_778, %eq3A_779 : vector<16xi1>
      %eq3A_781 = arith.cmpi eq, %gather3A_103, %gather3A_82 : vector<16xi32>
      %or3A_782 = arith.ori %or3A_780, %eq3A_781 : vector<16xi1>
      %eq3A_783 = arith.cmpi eq, %gather3A_103, %gather3A_85 : vector<16xi32>
      %or3A_784 = arith.ori %or3A_782, %eq3A_783 : vector<16xi1>
      %eq3A_785 = arith.cmpi eq, %gather3A_103, %gather3A_88 : vector<16xi32>
      %or3A_786 = arith.ori %or3A_784, %eq3A_785 : vector<16xi1>
      %eq3A_787 = arith.cmpi eq, %gather3A_103, %gather3A_91 : vector<16xi32>
      %or3A_788 = arith.ori %or3A_786, %eq3A_787 : vector<16xi1>
      %eq3A_789 = arith.cmpi eq, %gather3A_103, %gather3A_94 : vector<16xi32>
      %or3A_790 = arith.ori %or3A_788, %eq3A_789 : vector<16xi1>
      %eq3A_791 = arith.cmpi eq, %gather3A_103, %gather3A_97 : vector<16xi32>
      %or3A_792 = arith.ori %or3A_790, %eq3A_791 : vector<16xi1>
      %eq3A_793 = arith.cmpi eq, %gather3A_103, %gather3A_100 : vector<16xi32>
      %or3A_794 = arith.ori %or3A_792, %eq3A_793 : vector<16xi1>
      %gather3A_795 = tpu.vector_load_idx %arg12[%gather3A_103] : memref<1000xf32, #tpu.memory_space<vmem>>[vector<16xi32>], vector<16xf32>,
      %jit3A_796 = arith.constant 0.000000e+00 : f32
      %broadcast_in_dim3A_797 = vector.broadcast %jit3A_796 : f32 to vector<16xf32>
      %select_n3A_798 = arith.select %or3A_794, %broadcast_in_dim3A_797, %gather3A_795 : vector<16xi1>, vector<16xf32>
      %add3A_799 = arith.addf %add3A_747, %select_n3A_798 : vector<16xf32>
      %eq3A_800 = arith.cmpi eq, %gather3A_106, %gather3A : vector<16xi32>
      %eq3A_801 = arith.cmpi eq, %gather3A_106, %gather3A_34 : vector<16xi32>
      %or3A_802 = arith.ori %eq3A_800, %eq3A_801 : vector<16xi1>
      %eq3A_803 = arith.cmpi eq, %gather3A_106, %gather3A_37 : vector<16xi32>
      %or3A_804 = arith.ori %or3A_802, %eq3A_803 : vector<16xi1>
      %eq3A_805 = arith.cmpi eq, %gather3A_106, %gather3A_40 : vector<16xi32>
      %or3A_806 = arith.ori %or3A_804, %eq3A_805 : vector<16xi1>
      %eq3A_807 = arith.cmpi eq, %gather3A_106, %gather3A_43 : vector<16xi32>
      %or3A_808 = arith.ori %or3A_806, %eq3A_807 : vector<16xi1>
      %eq3A_809 = arith.cmpi eq, %gather3A_106, %gather3A_46 : vector<16xi32>
      %or3A_810 = arith.ori %or3A_808, %eq3A_809 : vector<16xi1>
      %eq3A_811 = arith.cmpi eq, %gather3A_106, %gather3A_49 : vector<16xi32>
      %or3A_812 = arith.ori %or3A_810, %eq3A_811 : vector<16xi1>
      %eq3A_813 = arith.cmpi eq, %gather3A_106, %gather3A_52 : vector<16xi32>
      %or3A_814 = arith.ori %or3A_812, %eq3A_813 : vector<16xi1>
      %eq3A_815 = arith.cmpi eq, %gather3A_106, %gather3A_55 : vector<16xi32>
      %or3A_816 = arith.ori %or3A_814, %eq3A_815 : vector<16xi1>
      %eq3A_817 = arith.cmpi eq, %gather3A_106, %gather3A_58 : vector<16xi32>
      %or3A_818 = arith.ori %or3A_816, %eq3A_817 : vector<16xi1>
      %eq3A_819 = arith.cmpi eq, %gather3A_106, %gather3A_61 : vector<16xi32>
      %or3A_820 = arith.ori %or3A_818, %eq3A_819 : vector<16xi1>
      %eq3A_821 = arith.cmpi eq, %gather3A_106, %gather3A_64 : vector<16xi32>
      %or3A_822 = arith.ori %or3A_820, %eq3A_821 : vector<16xi1>
      %eq3A_823 = arith.cmpi eq, %gather3A_106, %gather3A_67 : vector<16xi32>
      %or3A_824 = arith.ori %or3A_822, %eq3A_823 : vector<16xi1>
      %eq3A_825 = arith.cmpi eq, %gather3A_106, %gather3A_70 : vector<16xi32>
      %or3A_826 = arith.ori %or3A_824, %eq3A_825 : vector<16xi1>
      %eq3A_827 = arith.cmpi eq, %gather3A_106, %gather3A_73 : vector<16xi32>
      %or3A_828 = arith.ori %or3A_826, %eq3A_827 : vector<16xi1>
      %eq3A_829 = arith.cmpi eq, %gather3A_106, %gather3A_76 : vector<16xi32>
      %or3A_830 = arith.ori %or3A_828, %eq3A_829 : vector<16xi1>
      %eq3A_831 = arith.cmpi eq, %gather3A_106, %gather3A_79 : vector<16xi32>
      %or3A_832 = arith.ori %or3A_830, %eq3A_831 : vector<16xi1>
      %eq3A_833 = arith.cmpi eq, %gather3A_106, %gather3A_82 : vector<16xi32>
      %or3A_834 = arith.ori %or3A_832, %eq3A_833 : vector<16xi1>
      %eq3A_835 = arith.cmpi eq, %gather3A_106, %gather3A_85 : vector<16xi32>
      %or3A_836 = arith.ori %or3A_834, %eq3A_835 : vector<16xi1>
      %eq3A_837 = arith.cmpi eq, %gather3A_106, %gather3A_88 : vector<16xi32>
      %or3A_838 = arith.ori %or3A_836, %eq3A_837 : vector<16xi1>
      %eq3A_839 = arith.cmpi eq, %gather3A_106, %gather3A_91 : vector<16xi32>
      %or3A_840 = arith.ori %or3A_838, %eq3A_839 : vector<16xi1>
      %eq3A_841 = arith.cmpi eq, %gather3A_106, %gather3A_94 : vector<16xi32>
      %or3A_842 = arith.ori %or3A_840, %eq3A_841 : vector<16xi1>
      %eq3A_843 = arith.cmpi eq, %gather3A_106, %gather3A_97 : vector<16xi32>
      %or3A_844 = arith.ori %or3A_842, %eq3A_843 : vector<16xi1>
      %eq3A_845 = arith.cmpi eq, %gather3A_106, %gather3A_100 : vector<16xi32>
      %or3A_846 = arith.ori %or3A_844, %eq3A_845 : vector<16xi1>
      %eq3A_847 = arith.cmpi eq, %gather3A_106, %gather3A_103 : vector<16xi32>
      %or3A_848 = arith.ori %or3A_846, %eq3A_847 : vector<16xi1>
      %gather3A_849 = tpu.vector_load_idx %arg12[%gather3A_106] : memref<1000xf32, #tpu.memory_space<vmem>>[vector<16xi32>], vector<16xf32>,
      %jit3A_850 = arith.constant 0.000000e+00 : f32
      %broadcast_in_dim3A_851 = vector.broadcast %jit3A_850 : f32 to vector<16xf32>
      %select_n3A_852 = arith.select %or3A_848, %broadcast_in_dim3A_851, %gather3A_849 : vector<16xi1>, vector<16xf32>
      %add3A_853 = arith.addf %add3A_799, %select_n3A_852 : vector<16xf32>
      %mul3A_854 = arith.constant 16 : i32
      %mul3A_855 = arith.muli %scan3A_26, %mul3A_854 : i32
      %swap3A = arith.index_cast %mul3A_855 : i32 to index
      %swap3A_856 = tpu.vector_load %arg11[%swap3A] {strides = array<i32>} : memref<128xf32, #tpu.memory_space<vmem>>, vector<16xf32>,
      tpu.vector_store %arg11[%swap3A], %add3A_853 {strides = array<i32>} : memref<128xf32, #tpu.memory_space<vmem>>, vector<16xf32>,
    }
    %scan3A_13 = arith.constant 8 : i32
    "tpu.region"() ({
      %run_scoped3A = tpu.sem_alloc : memref<!tpu.dma_semaphore, #tpu.memory_space<semaphore_mem>>
      %dma_start3A = arith.constant 0 : i32
      %dma_start3A_26 = tpu.memref_slice %arg7[%add3A, %dma_start3A] : memref<32x128xf32, #tpu.memory_space<hbm>> -> memref<1x128xf32, #tpu.memory_space<hbm>>
      %dma_start3A_27 = tpu.memref_squeeze %dma_start3A_26 : memref<1x128xf32, #tpu.memory_space<hbm>> -> memref<128xf32, #tpu.memory_space<hbm>>
      %dma_start3A_28 = arith.constant 0 : i32
      %dma_start3A_29 = tpu.memref_slice %arg7[%add3A, %dma_start3A_28] : memref<32x128xf32, #tpu.memory_space<hbm>> -> memref<1x128xf32, #tpu.memory_space<hbm>>
      %dma_start3A_30 = tpu.memref_squeeze %dma_start3A_29 : memref<1x128xf32, #tpu.memory_space<hbm>> -> memref<128xf32, #tpu.memory_space<hbm>>
      tpu.enqueue_dma source(%arg11 : memref<128xf32, #tpu.memory_space<vmem>>) target(%dma_start3A_30 : memref<128xf32, #tpu.memory_space<hbm>>) target_semaphore(%run_scoped3A : memref<!tpu.dma_semaphore, #tpu.memory_space<semaphore_mem>>)
      %dma_wait3A = arith.constant 0 : i32
      %dma_wait3A_31 = tpu.memref_slice %arg7[%add3A, %dma_wait3A] : memref<32x128xf32, #tpu.memory_space<hbm>> -> memref<1x128xf32, #tpu.memory_space<hbm>>
      %dma_wait3A_32 = tpu.memref_squeeze %dma_wait3A_31 : memref<1x128xf32, #tpu.memory_space<hbm>> -> memref<128xf32, #tpu.memory_space<hbm>>
      %dma_wait3A_33 = arith.constant 0 : i32
      %dma_wait3A_34 = tpu.memref_slice %arg7[%add3A, %dma_wait3A_33] : memref<32x128xf32, #tpu.memory_space<hbm>> -> memref<1x128xf32, #tpu.memory_space<hbm>>
      %dma_wait3A_35 = tpu.memref_squeeze %dma_wait3A_34 : memref<1x128xf32, #tpu.memory_space<hbm>> -> memref<128xf32, #tpu.memory_space<hbm>>
      tpu.wait_dma2 semaphore(%run_scoped3A : memref<!tpu.dma_semaphore, #tpu.memory_space<semaphore_mem>>) src(%arg11 : memref<128xf32, #tpu.memory_space<vmem>>) dst(%dma_wait3A_35 : memref<128xf32, #tpu.memory_space<hbm>>)
      tpu.yield
    }) : () -> ()
    %scan3A_14 = arith.constant 0 : i32
    %scan3A_15 = arith.constant 0 : i32
    %scan3A_16 = arith.constant 26 : i32
    %scan3A_17 = arith.addi %scan3A_15, %scan3A_16 : i32
    %scan3A_18 = arith.constant 1 : i32
    scf.for %scan3A_26 = %scan3A_15 to %scan3A_17 step %scan3A_18  : i32 {
      %mul3A_27 = arith.constant 128 : i32
      %mul3A_28 = arith.muli %scan3A_26, %mul3A_27 : i32
      %dma_wait3A = arith.constant 0 : i32
      %dma_wait3A_29 = tpu.memref_slice %arg9[%mul3A_28, %dma_wait3A] : memref<3328x16xf32, #tpu.memory_space<vmem>> -> memref<128x16xf32, #tpu.memory_space<vmem>>
      %dma_wait3A_30 = arith.constant 0 : i32
      %dma_wait3A_31 = tpu.memref_slice %arg8[%scan3A_26, %dma_wait3A_30] : memref<26x128xi32, #tpu.memory_space<vmem>> -> memref<1x128xi32, #tpu.memory_space<vmem>>
      %dma_wait3A_32 = tpu.memref_squeeze %dma_wait3A_31 : memref<1x128xi32, #tpu.memory_space<vmem>> -> memref<128xi32, #tpu.memory_space<vmem>>
      %dma_wait3A_33 = arith.constant 0 : i32
      %dma_wait3A_34 = arith.constant 0 : i32
      %dma_wait3A_35 = tpu.memref_slice %arg5[%dma_wait3A_33, %dma_wait3A_34] : memref<26000x16xf32, #tpu.memory_space<hbm>> -> memref<26000x16xf32, #tpu.memory_space<hbm>>
      tpu.wait_indirect_dma semaphore(%arg13 : memref<!tpu.dma_semaphore, #tpu.memory_space<semaphore_mem>>) src(%dma_wait3A_35 : memref<26000x16xf32, #tpu.memory_space<hbm>>) dst(%dma_wait3A_29 : memref<128x16xf32, #tpu.memory_space<vmem>>)
      %mul3A_36 = arith.constant 128 : i32
      %mul3A_37 = arith.muli %scan3A_26, %mul3A_36 : i32
      %mul3A_38 = arith.constant 3328 : i32
      %mul3A_39 = arith.muli %add3A, %mul3A_38 : i32
      %mul3A_40 = arith.constant 128 : i32
      %mul3A_41 = arith.muli %scan3A_26, %mul3A_40 : i32
      %add3A_42 = arith.addi %mul3A_39, %mul3A_41 : i32
      %dma_start3A = arith.constant 0 : i32
      %dma_start3A_43 = tpu.memref_slice %arg9[%mul3A_37, %dma_start3A] : memref<3328x16xf32, #tpu.memory_space<vmem>> -> memref<128x16xf32, #tpu.memory_space<vmem>>
      %dma_start3A_44 = arith.constant 0 : i32
      %dma_start3A_45 = tpu.memref_slice %arg6[%add3A_42, %dma_start3A_44] : memref<106496x16xf32, #tpu.memory_space<hbm>> -> memref<128x16xf32, #tpu.memory_space<hbm>>
      %dma_start3A_46 = arith.constant 0 : i32
      %dma_start3A_47 = tpu.memref_slice %arg6[%add3A_42, %dma_start3A_46] : memref<106496x16xf32, #tpu.memory_space<hbm>> -> memref<128x16xf32, #tpu.memory_space<hbm>>
      %dma_start3A_48 = arith.constant 0 : i32
      %dma_start3A_49 = tpu.memref_slice %arg9[%mul3A_37, %dma_start3A_48] : memref<3328x16xf32, #tpu.memory_space<vmem>> -> memref<128x16xf32, #tpu.memory_space<vmem>>
      tpu.enqueue_dma source(%dma_start3A_49 : memref<128x16xf32, #tpu.memory_space<vmem>>) target(%dma_start3A_47 : memref<128x16xf32, #tpu.memory_space<hbm>>) target_semaphore(%arg14 : memref<!tpu.dma_semaphore, #tpu.memory_space<semaphore_mem>>)
    }
    %scan3A_19 = arith.constant 26 : i32
    %scan3A_20 = arith.constant 0 : i32
    %scan3A_21 = arith.constant 0 : i32
    %scan3A_22 = arith.constant 26 : i32
    %scan3A_23 = arith.addi %scan3A_21, %scan3A_22 : i32
    %scan3A_24 = arith.constant 1 : i32
    scf.for %scan3A_26 = %scan3A_21 to %scan3A_23 step %scan3A_24  : i32 {
      %mul3A_27 = arith.constant 128 : i32
      %mul3A_28 = arith.muli %scan3A_26, %mul3A_27 : i32
      %mul3A_29 = arith.constant 3328 : i32
      %mul3A_30 = arith.muli %add3A, %mul3A_29 : i32
      %mul3A_31 = arith.constant 128 : i32
      %mul3A_32 = arith.muli %scan3A_26, %mul3A_31 : i32
      %add3A_33 = arith.addi %mul3A_30, %mul3A_32 : i32
      %dma_wait3A = arith.constant 0 : i32
      %dma_wait3A_34 = tpu.memref_slice %arg9[%mul3A_28, %dma_wait3A] : memref<3328x16xf32, #tpu.memory_space<vmem>> -> memref<128x16xf32, #tpu.memory_space<vmem>>
      %dma_wait3A_35 = arith.constant 0 : i32
      %dma_wait3A_36 = tpu.memref_slice %arg6[%add3A_33, %dma_wait3A_35] : memref<106496x16xf32, #tpu.memory_space<hbm>> -> memref<128x16xf32, #tpu.memory_space<hbm>>
      %dma_wait3A_37 = arith.constant 0 : i32
      %dma_wait3A_38 = tpu.memref_slice %arg6[%add3A_33, %dma_wait3A_37] : memref<106496x16xf32, #tpu.memory_space<hbm>> -> memref<128x16xf32, #tpu.memory_space<hbm>>
      %dma_wait3A_39 = arith.constant 0 : i32
      %dma_wait3A_40 = tpu.memref_slice %arg9[%mul3A_28, %dma_wait3A_39] : memref<3328x16xf32, #tpu.memory_space<vmem>> -> memref<128x16xf32, #tpu.memory_space<vmem>>
      tpu.wait_dma2 semaphore(%arg14 : memref<!tpu.dma_semaphore, #tpu.memory_space<semaphore_mem>>) src(%dma_wait3A_40 : memref<128x16xf32, #tpu.memory_space<vmem>>) dst(%dma_wait3A_38 : memref<128x16xf32, #tpu.memory_space<hbm>>)
    }
    %scan3A_25 = arith.constant 26 : i32
    return
  }
}

module attributes {stable_mosaic.version = 14 : i64} {
  func.func @_tc_body(%arg0: memref<4096x416xf32, #tpu.memory_space<vmem>>, %arg1: memref<32x128xf32, #tpu.memory_space<vmem>>, %arg2: memref<416x80xf32, #tpu.memory_space<vmem>>, %arg3: memref<1x64xf32, #tpu.memory_space<vmem>>, %arg4: memref<1x64xf32, #tpu.memory_space<vmem>>, %arg5: memref<1x64xf32, #tpu.memory_space<vmem>>, %arg6: memref<64x32xf32, #tpu.memory_space<vmem>>, %arg7: memref<1x32xf32, #tpu.memory_space<vmem>>, %arg8: memref<1x32xf32, #tpu.memory_space<vmem>>, %arg9: memref<1x32xf32, #tpu.memory_space<vmem>>, %arg10: memref<32x1xf32, #tpu.memory_space<vmem>>, %arg11: memref<1x1xf32, #tpu.memory_space<vmem>>, %arg12: memref<4096x1xf32, #tpu.memory_space<vmem>>, %arg13: memref<4096x64xf32, #tpu.memory_space<vmem>>, %arg14: memref<4096x32xf32, #tpu.memory_space<vmem>>, %arg15: memref<4096x1xf32, #tpu.memory_space<vmem>>) attributes {dimension_semantics = [], scalar_prefetch = 0 : i64, scratch_operands = 3 : i64, tpu.core_type = #tpu.core_type<tc>} {
    %get3A = arith.constant 0 : index
    %get3A_0 = arith.constant 0 : index
    %get3A_1 = vector.load %arg1[%get3A, %get3A_0] : memref<32x128xf32, #tpu.memory_space<vmem>>, vector<32x128xf32>
    %get3A_2 = arith.constant 0 : index
    %get3A_3 = arith.constant 0 : index
    %get3A_4 = vector.load %arg2[%get3A_2, %get3A_3] : memref<416x80xf32, #tpu.memory_space<vmem>>, vector<416x80xf32>
    %broadcast_in_dim3A = arith.constant 0.000000e+00 : f32
    %broadcast_in_dim3A_5 = vector.broadcast %broadcast_in_dim3A : f32 to vector<1x64xf32>
    %scan3A = arith.constant 0 : i32
    %scan3A_6 = arith.constant 16 : i32
    %scan3A_7 = arith.addi %scan3A, %scan3A_6 : i32
    %scan3A_8 = arith.constant 1 : i32
    %scan3A_9:2 = scf.for %scan3A_67 = %scan3A to %scan3A_7 step %scan3A_8 iter_args(%scan3A_68 = %broadcast_in_dim3A_5, %scan3A_69 = %broadcast_in_dim3A_5) -> (vector<1x64xf32>, vector<1x64xf32>)  : i32 {
      %mul3A_70 = arith.constant 256 : i32
      %mul3A_71 = arith.muli %scan3A_67, %mul3A_70 : i32
      %get3A_72 = arith.index_cast %mul3A_71 : i32 to index
      %get3A_73 = arith.constant 0 : index
      %get3A_74 = vector.load %arg0[%get3A_72, %get3A_73] : memref<4096x416xf32, #tpu.memory_space<vmem>>, vector<256x416xf32>
      %dot_general3A = arith.constant dense<0.000000e+00> : vector<256x80xf32>
      %dot_general3A_75 = tpu.matmul %get3A_74, %get3A_4, %dot_general3A {dimension_numbers = #tpu.dot_dimension_numbers<[1], [0], [0], [1], [0, 0, 1, 1], [], []>, transpose_lhs_hint = false} : vector<256x416xf32>, vector<416x80xf32>, vector<256x80xf32> -> vector<256x80xf32>
      %slice3A = vector.extract_strided_slice %dot_general3A_75 {offsets = [0, 0], sizes = [256, 64], strides = [1, 1]} : vector<256x80xf32> to vector<256x64xf32>
      %get3A_76 = arith.constant 0 : index
      %get3A_77 = arith.constant 0 : index
      %get3A_78 = vector.load %arg3[%get3A_76, %get3A_77] : memref<1x64xf32, #tpu.memory_space<vmem>>, vector<1x64xf32>
      %add3A_79 = vector.broadcast %get3A_78 : vector<1x64xf32> to vector<256x64xf32>
      %add3A_80 = arith.addf %slice3A, %add3A_79 : vector<256x64xf32>
      %slice3A_81 = vector.extract_strided_slice %dot_general3A_75 {offsets = [0, 64], sizes = [256, 16], strides = [1, 1]} : vector<256x80xf32> to vector<256x16xf32>
      %mul3A_82 = arith.constant 256 : i32
      %mul3A_83 = arith.muli %scan3A_67, %mul3A_82 : i32
      %swap3A = arith.index_cast %mul3A_83 : i32 to index
      %swap3A_84 = arith.constant 0 : index
      %swap3A_85 = vector.load %arg13[%swap3A, %swap3A_84] : memref<4096x64xf32, #tpu.memory_space<vmem>>, vector<256x64xf32>
      tpu.vector_store %arg13[%swap3A, %swap3A_84], %add3A_80 {strides = array<i32>} : memref<4096x64xf32, #tpu.memory_space<vmem>>, vector<256x64xf32>,
      %mul3A_86 = arith.mulf %slice3A_81, %slice3A_81 : vector<256x16xf32>
      %reduce_sum3A = arith.constant dense<0.000000e+00> : vector<256xf32>
      %reduce_sum3A_87 = vector.multi_reduction <add>, %mul3A_86, %reduce_sum3A [1] : vector<256x16xf32> to vector<256xf32>
      %broadcast_in_dim3A_88 = vector.shape_cast %reduce_sum3A_87 : vector<256xf32> to vector<256x1xf32>
      %mul3A_89 = arith.mulf %get3A_74, %get3A_74 : vector<256x416xf32>
      %reduce_sum3A_90 = arith.constant dense<0.000000e+00> : vector<256xf32>
      %reduce_sum3A_91 = vector.multi_reduction <add>, %mul3A_89, %reduce_sum3A_90 [1] : vector<256x416xf32> to vector<256xf32>
      %broadcast_in_dim3A_92 = vector.shape_cast %reduce_sum3A_91 : vector<256xf32> to vector<256x1xf32>
      %sub3A_93 = arith.subf %broadcast_in_dim3A_88, %broadcast_in_dim3A_92 : vector<256x1xf32>
      %mul3A_94 = arith.constant 5.000000e-01 : f32
      %mul3A_95 = vector.broadcast %mul3A_94 : f32 to vector<256x1xf32>
      %mul3A_96 = arith.mulf %mul3A_95, %sub3A_93 : vector<256x1xf32>
      %iota3A = tpu.iota {dimensions = array<i32: 1>} : vector<256x32xi32>
      %mul3A_97 = arith.constant 2 : i32
      %mul3A_98 = arith.muli %mul3A_97, %scan3A_67 : i32
      %iota3A_99 = tpu.iota {dimensions = array<i32: 0>} : vector<256x32xi32>
      %jit3A = arith.constant 128 : i32
      %div3A_100 = vector.broadcast %jit3A : i32 to vector<256x32xi32>
      %div3A_101 = arith.divsi %iota3A_99, %div3A_100 : vector<256x32xi32>
      %sign3A = arith.constant 0 : i32
      %sign3A_102 = vector.broadcast %sign3A : i32 to vector<256x32xi32>
      %sign3A_103 = arith.cmpi sgt, %iota3A_99, %sign3A_102 : vector<256x32xi32>
      %sign3A_104 = arith.extui %sign3A_103 : vector<256x32xi1> to vector<256x32xi32>
      %sign3A_105 = arith.constant 0 : i32
      %sign3A_106 = vector.broadcast %sign3A_105 : i32 to vector<256x32xi32>
      %sign3A_107 = arith.cmpi slt, %iota3A_99, %sign3A_106 : vector<256x32xi32>
      %sign3A_108 = arith.extui %sign3A_107 : vector<256x32xi1> to vector<256x32xi32>
      %sign3A_109 = arith.subi %sign3A_104, %sign3A_108 : vector<256x32xi32>
      %sign3A_110 = arith.constant 0 : i32
      %sign3A_111 = arith.cmpi sgt, %jit3A, %sign3A_110 : i32
      %sign3A_112 = arith.extui %sign3A_111 : i1 to i32
      %sign3A_113 = arith.constant 0 : i32
      %sign3A_114 = arith.cmpi slt, %jit3A, %sign3A_113 : i32
      %sign3A_115 = arith.extui %sign3A_114 : i1 to i32
      %sign3A_116 = arith.subi %sign3A_112, %sign3A_115 : i32
      %ne3A = vector.broadcast %sign3A_116 : i32 to vector<256x32xi32>
      %ne3A_117 = arith.cmpi ne, %sign3A_109, %ne3A : vector<256x32xi32>
      %rem3A = vector.broadcast %jit3A : i32 to vector<256x32xi32>
      %rem3A_118 = arith.remsi %iota3A_99, %rem3A : vector<256x32xi32>
      %ne3A_119 = arith.constant 0 : i32
      %ne3A_120 = vector.broadcast %ne3A_119 : i32 to vector<256x32xi32>
      %ne3A_121 = arith.cmpi ne, %rem3A_118, %ne3A_120 : vector<256x32xi32>
      %and3A = arith.andi %ne3A_117, %ne3A_121 : vector<256x32xi1>
      %sub3A_122 = arith.constant 1 : i32
      %sub3A_123 = vector.broadcast %sub3A_122 : i32 to vector<256x32xi32>
      %sub3A_124 = arith.subi %div3A_101, %sub3A_123 : vector<256x32xi32>
      %select_n3A = arith.select %and3A, %sub3A_124, %div3A_101 : vector<256x32xi1>, vector<256x32xi32>
      %add3A_125 = vector.broadcast %mul3A_98 : i32 to vector<256x32xi32>
      %add3A_126 = arith.addi %add3A_125, %select_n3A : vector<256x32xi32>
      %eq3A = arith.cmpi eq, %iota3A, %add3A_126 : vector<256x32xi32>
      %convert_element_type3A = arith.extui %eq3A : vector<256x32xi1> to vector<256x32xi32>
      %convert_element_type3A_127 = arith.sitofp %convert_element_type3A : vector<256x32xi32> to vector<256x32xf32>
      %dot_general3A_128 = arith.constant dense<0.000000e+00> : vector<256x128xf32>
      %dot_general3A_129 = tpu.matmul %convert_element_type3A_127, %get3A_1, %dot_general3A_128 {dimension_numbers = #tpu.dot_dimension_numbers<[1], [0], [0], [1], [0, 0, 1, 1], [], []>, transpose_lhs_hint = false} : vector<256x32xf32>, vector<32x128xf32>, vector<256x128xf32> -> vector<256x128xf32>
      %iota3A_130 = tpu.iota {dimensions = array<i32: 1>} : vector<256x128xi32>
      %iota3A_131 = tpu.iota {dimensions = array<i32: 0>} : vector<256x128xi32>
      %jit3A_132 = arith.constant 128 : i32
      %eq3A_133 = arith.constant 0 : i32
      %eq3A_134 = arith.cmpi eq, %jit3A_132, %eq3A_133 : i32
      %jit3A_135 = arith.constant 1 : i32
      %select_n3A_136 = arith.select %eq3A_134, %jit3A_135, %jit3A_132 : i32
      %rem3A_137 = vector.broadcast %select_n3A_136 : i32 to vector<256x128xi32>
      %rem3A_138 = arith.remsi %iota3A_131, %rem3A_137 : vector<256x128xi32>
      %ne3A_139 = arith.constant 0 : i32
      %ne3A_140 = vector.broadcast %ne3A_139 : i32 to vector<256x128xi32>
      %ne3A_141 = arith.cmpi ne, %rem3A_138, %ne3A_140 : vector<256x128xi32>
      %lt3A = arith.constant 0 : i32
      %lt3A_142 = vector.broadcast %lt3A : i32 to vector<256x128xi32>
      %lt3A_143 = arith.cmpi slt, %rem3A_138, %lt3A_142 : vector<256x128xi32>
      %lt3A_144 = arith.constant 0 : i32
      %lt3A_145 = arith.cmpi slt, %select_n3A_136, %lt3A_144 : i32
      %ne3A_146 = vector.broadcast %lt3A_145 : i1 to vector<256x128xi1>
      %ne3A_147 = vector.broadcast %ne3A_146 : vector<256x128xi1> to vector<256x128xi1>
      %ne3A_148 = arith.xori %lt3A_143, %ne3A_147 : vector<256x128xi1>
      %and3A_149 = arith.andi %ne3A_148, %ne3A_141 : vector<256x128xi1>
      %add3A_150 = vector.broadcast %select_n3A_136 : i32 to vector<256x128xi32>
      %add3A_151 = arith.addi %rem3A_138, %add3A_150 : vector<256x128xi32>
      %select_n3A_152 = arith.select %and3A_149, %add3A_151, %rem3A_138 : vector<256x128xi1>, vector<256x128xi32>
      %eq3A_153 = arith.cmpi eq, %iota3A_130, %select_n3A_152 : vector<256x128xi32>
      %jit3A_154 = arith.constant 0.000000e+00 : f32
      %broadcast_in_dim3A_155 = vector.broadcast %jit3A_154 : f32 to vector<256x128xf32>
      %select_n3A_156 = arith.select %eq3A_153, %dot_general3A_129, %broadcast_in_dim3A_155 : vector<256x128xi1>, vector<256x128xf32>
      %reduce_sum3A_157 = arith.constant dense<0.000000e+00> : vector<256xf32>
      %reduce_sum3A_158 = vector.multi_reduction <add>, %select_n3A_156, %reduce_sum3A_157 [1] : vector<256x128xf32> to vector<256xf32>
      %broadcast_in_dim3A_159 = vector.shape_cast %reduce_sum3A_158 : vector<256xf32> to vector<256x1xf32>
      %add3A_160 = arith.addf %mul3A_96, %broadcast_in_dim3A_159 : vector<256x1xf32>
      %get3A_161 = arith.constant 0 : index
      %get3A_162 = arith.constant 0 : index
      %get3A_163 = vector.load %arg11[%get3A_161, %get3A_162] : memref<1x1xf32, #tpu.memory_space<vmem>>, vector<1x1xf32>
      %add3A_164 = vector.broadcast %get3A_163 : vector<1x1xf32> to vector<256x1xf32>
      %add3A_165 = arith.addf %add3A_160, %add3A_164 : vector<256x1xf32>
      %mul3A_166 = arith.constant 256 : i32
      %mul3A_167 = arith.muli %scan3A_67, %mul3A_166 : i32
      %swap3A_168 = arith.index_cast %mul3A_167 : i32 to index
      %swap3A_169 = arith.constant 0 : index
      %swap3A_170 = vector.load %arg15[%swap3A_168, %swap3A_169] : memref<4096x1xf32, #tpu.memory_space<vmem>>, vector<256x1xf32>
      tpu.vector_store %arg15[%swap3A_168, %swap3A_169], %add3A_165 {strides = array<i32>} : memref<4096x1xf32, #tpu.memory_space<vmem>>, vector<256x1xf32>,
      %reduce_sum3A_171 = arith.constant dense<0.000000e+00> : vector<64xf32>
      %reduce_sum3A_172 = vector.multi_reduction <add>, %add3A_80, %reduce_sum3A_171 [0] : vector<256x64xf32> to vector<64xf32>
      %broadcast_in_dim3A_173 = vector.shape_cast %reduce_sum3A_172 : vector<64xf32> to vector<1x64xf32>
      %add3A_174 = arith.addf %scan3A_68, %broadcast_in_dim3A_173 : vector<1x64xf32>
      %mul3A_175 = arith.mulf %add3A_80, %add3A_80 : vector<256x64xf32>
      %reduce_sum3A_176 = arith.constant dense<0.000000e+00> : vector<64xf32>
      %reduce_sum3A_177 = vector.multi_reduction <add>, %mul3A_175, %reduce_sum3A_176 [0] : vector<256x64xf32> to vector<64xf32>
      %broadcast_in_dim3A_178 = vector.shape_cast %reduce_sum3A_177 : vector<64xf32> to vector<1x64xf32>
      %add3A_179 = arith.addf %scan3A_69, %broadcast_in_dim3A_178 : vector<1x64xf32>
      scf.yield %add3A_174, %add3A_179 : vector<1x64xf32>, vector<1x64xf32>
    }
    %scan3A_10 = arith.constant 16 : i32
    %div3A = arith.constant 4.096000e+03 : f32
    %div3A_11 = vector.broadcast %div3A : f32 to vector<1x64xf32>
    %div3A_12 = arith.divf %scan3A_9#0, %div3A_11 : vector<1x64xf32>
    %div3A_13 = arith.constant 4.096000e+03 : f32
    %div3A_14 = vector.broadcast %div3A_13 : f32 to vector<1x64xf32>
    %div3A_15 = arith.divf %scan3A_9#1, %div3A_14 : vector<1x64xf32>
    %mul3A = arith.mulf %div3A_12, %div3A_12 : vector<1x64xf32>
    %sub3A = arith.subf %div3A_15, %mul3A : vector<1x64xf32>
    %add3A = arith.constant 9.99999974E-6 : f32
    %add3A_16 = vector.broadcast %add3A : f32 to vector<1x64xf32>
    %add3A_17 = arith.addf %sub3A, %add3A_16 : vector<1x64xf32>
    %rsqrt3A = math.rsqrt %add3A_17 : vector<1x64xf32>
    %get3A_18 = arith.constant 0 : index
    %get3A_19 = arith.constant 0 : index
    %get3A_20 = vector.load %arg4[%get3A_18, %get3A_19] : memref<1x64xf32, #tpu.memory_space<vmem>>, vector<1x64xf32>
    %mul3A_21 = arith.mulf %rsqrt3A, %get3A_20 : vector<1x64xf32>
    %get3A_22 = arith.constant 0 : index
    %get3A_23 = arith.constant 0 : index
    %get3A_24 = vector.load %arg5[%get3A_22, %get3A_23] : memref<1x64xf32, #tpu.memory_space<vmem>>, vector<1x64xf32>
    %mul3A_25 = arith.mulf %div3A_12, %mul3A_21 : vector<1x64xf32>
    %sub3A_26 = arith.subf %get3A_24, %mul3A_25 : vector<1x64xf32>
    %get3A_27 = arith.constant 0 : index
    %get3A_28 = arith.constant 0 : index
    %get3A_29 = vector.load %arg6[%get3A_27, %get3A_28] : memref<64x32xf32, #tpu.memory_space<vmem>>, vector<64x32xf32>
    %broadcast_in_dim3A_30 = arith.constant 0.000000e+00 : f32
    %broadcast_in_dim3A_31 = vector.broadcast %broadcast_in_dim3A_30 : f32 to vector<1x32xf32>
    %scan3A_32 = arith.constant 0 : i32
    %scan3A_33 = arith.constant 16 : i32
    %scan3A_34 = arith.addi %scan3A_32, %scan3A_33 : i32
    %scan3A_35 = arith.constant 1 : i32
    %scan3A_36:2 = scf.for %scan3A_67 = %scan3A_32 to %scan3A_34 step %scan3A_35 iter_args(%scan3A_68 = %broadcast_in_dim3A_31, %scan3A_69 = %broadcast_in_dim3A_31) -> (vector<1x32xf32>, vector<1x32xf32>)  : i32 {
      %mul3A_70 = arith.constant 256 : i32
      %mul3A_71 = arith.muli %scan3A_67, %mul3A_70 : i32
      %get3A_72 = arith.index_cast %mul3A_71 : i32 to index
      %get3A_73 = arith.constant 0 : index
      %get3A_74 = vector.load %arg13[%get3A_72, %get3A_73] : memref<4096x64xf32, #tpu.memory_space<vmem>>, vector<256x64xf32>
      %mul3A_75 = vector.broadcast %mul3A_21 : vector<1x64xf32> to vector<256x64xf32>
      %mul3A_76 = arith.mulf %get3A_74, %mul3A_75 : vector<256x64xf32>
      %add3A_77 = vector.broadcast %sub3A_26 : vector<1x64xf32> to vector<256x64xf32>
      %add3A_78 = arith.addf %mul3A_76, %add3A_77 : vector<256x64xf32>
      %max3A = arith.constant 0.000000e+00 : f32
      %max3A_79 = vector.broadcast %max3A : f32 to vector<256x64xf32>
      %max3A_80 = arith.maximumf %add3A_78, %max3A_79 : vector<256x64xf32>
      %dot_general3A = arith.constant dense<0.000000e+00> : vector<256x32xf32>
      %dot_general3A_81 = tpu.matmul %max3A_80, %get3A_29, %dot_general3A {dimension_numbers = #tpu.dot_dimension_numbers<[1], [0], [0], [1], [0, 0, 1, 1], [], []>, transpose_lhs_hint = false} : vector<256x64xf32>, vector<64x32xf32>, vector<256x32xf32> -> vector<256x32xf32>
      %get3A_82 = arith.constant 0 : index
      %get3A_83 = arith.constant 0 : index
      %get3A_84 = vector.load %arg7[%get3A_82, %get3A_83] : memref<1x32xf32, #tpu.memory_space<vmem>>, vector<1x32xf32>
      %add3A_85 = vector.broadcast %get3A_84 : vector<1x32xf32> to vector<256x32xf32>
      %add3A_86 = arith.addf %dot_general3A_81, %add3A_85 : vector<256x32xf32>
      %mul3A_87 = arith.constant 256 : i32
      %mul3A_88 = arith.muli %scan3A_67, %mul3A_87 : i32
      %swap3A = arith.index_cast %mul3A_88 : i32 to index
      %swap3A_89 = arith.constant 0 : index
      %swap3A_90 = vector.load %arg14[%swap3A, %swap3A_89] : memref<4096x32xf32, #tpu.memory_space<vmem>>, vector<256x32xf32>
      tpu.vector_store %arg14[%swap3A, %swap3A_89], %add3A_86 {strides = array<i32>} : memref<4096x32xf32, #tpu.memory_space<vmem>>, vector<256x32xf32>,
      %reduce_sum3A = arith.constant dense<0.000000e+00> : vector<32xf32>
      %reduce_sum3A_91 = vector.multi_reduction <add>, %add3A_86, %reduce_sum3A [0] : vector<256x32xf32> to vector<32xf32>
      %broadcast_in_dim3A_92 = vector.shape_cast %reduce_sum3A_91 : vector<32xf32> to vector<1x32xf32>
      %add3A_93 = arith.addf %scan3A_68, %broadcast_in_dim3A_92 : vector<1x32xf32>
      %mul3A_94 = arith.mulf %add3A_86, %add3A_86 : vector<256x32xf32>
      %reduce_sum3A_95 = arith.constant dense<0.000000e+00> : vector<32xf32>
      %reduce_sum3A_96 = vector.multi_reduction <add>, %mul3A_94, %reduce_sum3A_95 [0] : vector<256x32xf32> to vector<32xf32>
      %broadcast_in_dim3A_97 = vector.shape_cast %reduce_sum3A_96 : vector<32xf32> to vector<1x32xf32>
      %add3A_98 = arith.addf %scan3A_69, %broadcast_in_dim3A_97 : vector<1x32xf32>
      scf.yield %add3A_93, %add3A_98 : vector<1x32xf32>, vector<1x32xf32>
    }
    %scan3A_37 = arith.constant 16 : i32
    %div3A_38 = arith.constant 4.096000e+03 : f32
    %div3A_39 = vector.broadcast %div3A_38 : f32 to vector<1x32xf32>
    %div3A_40 = arith.divf %scan3A_36#0, %div3A_39 : vector<1x32xf32>
    %div3A_41 = arith.constant 4.096000e+03 : f32
    %div3A_42 = vector.broadcast %div3A_41 : f32 to vector<1x32xf32>
    %div3A_43 = arith.divf %scan3A_36#1, %div3A_42 : vector<1x32xf32>
    %mul3A_44 = arith.mulf %div3A_40, %div3A_40 : vector<1x32xf32>
    %sub3A_45 = arith.subf %div3A_43, %mul3A_44 : vector<1x32xf32>
    %add3A_46 = arith.constant 9.99999974E-6 : f32
    %add3A_47 = vector.broadcast %add3A_46 : f32 to vector<1x32xf32>
    %add3A_48 = arith.addf %sub3A_45, %add3A_47 : vector<1x32xf32>
    %rsqrt3A_49 = math.rsqrt %add3A_48 : vector<1x32xf32>
    %get3A_50 = arith.constant 0 : index
    %get3A_51 = arith.constant 0 : index
    %get3A_52 = vector.load %arg8[%get3A_50, %get3A_51] : memref<1x32xf32, #tpu.memory_space<vmem>>, vector<1x32xf32>
    %mul3A_53 = arith.mulf %rsqrt3A_49, %get3A_52 : vector<1x32xf32>
    %get3A_54 = arith.constant 0 : index
    %get3A_55 = arith.constant 0 : index
    %get3A_56 = vector.load %arg9[%get3A_54, %get3A_55] : memref<1x32xf32, #tpu.memory_space<vmem>>, vector<1x32xf32>
    %mul3A_57 = arith.mulf %div3A_40, %mul3A_53 : vector<1x32xf32>
    %sub3A_58 = arith.subf %get3A_56, %mul3A_57 : vector<1x32xf32>
    %get3A_59 = arith.constant 0 : index
    %get3A_60 = arith.constant 0 : index
    %get3A_61 = vector.load %arg10[%get3A_59, %get3A_60] : memref<32x1xf32, #tpu.memory_space<vmem>>, vector<32x1xf32>
    %scan3A_62 = arith.constant 0 : i32
    %scan3A_63 = arith.constant 16 : i32
    %scan3A_64 = arith.addi %scan3A_62, %scan3A_63 : i32
    %scan3A_65 = arith.constant 1 : i32
    scf.for %scan3A_67 = %scan3A_62 to %scan3A_64 step %scan3A_65  : i32 {
      %mul3A_68 = arith.constant 256 : i32
      %mul3A_69 = arith.muli %scan3A_67, %mul3A_68 : i32
      %get3A_70 = arith.index_cast %mul3A_69 : i32 to index
      %get3A_71 = arith.constant 0 : index
      %get3A_72 = vector.load %arg14[%get3A_70, %get3A_71] : memref<4096x32xf32, #tpu.memory_space<vmem>>, vector<256x32xf32>
      %mul3A_73 = vector.broadcast %mul3A_53 : vector<1x32xf32> to vector<256x32xf32>
      %mul3A_74 = arith.mulf %get3A_72, %mul3A_73 : vector<256x32xf32>
      %add3A_75 = vector.broadcast %sub3A_58 : vector<1x32xf32> to vector<256x32xf32>
      %add3A_76 = arith.addf %mul3A_74, %add3A_75 : vector<256x32xf32>
      %max3A = arith.constant 0.000000e+00 : f32
      %max3A_77 = vector.broadcast %max3A : f32 to vector<256x32xf32>
      %max3A_78 = arith.maximumf %add3A_76, %max3A_77 : vector<256x32xf32>
      %dot_general3A = arith.constant dense<0.000000e+00> : vector<256x1xf32>
      %dot_general3A_79 = tpu.matmul %max3A_78, %get3A_61, %dot_general3A {dimension_numbers = #tpu.dot_dimension_numbers<[1], [0], [0], [1], [0, 0, 1, 1], [], []>, transpose_lhs_hint = false} : vector<256x32xf32>, vector<32x1xf32>, vector<256x1xf32> -> vector<256x1xf32>
      %mul3A_80 = arith.constant 256 : i32
      %mul3A_81 = arith.muli %scan3A_67, %mul3A_80 : i32
      %get3A_82 = arith.index_cast %mul3A_81 : i32 to index
      %get3A_83 = arith.constant 0 : index
      %get3A_84 = vector.load %arg15[%get3A_82, %get3A_83] : memref<4096x1xf32, #tpu.memory_space<vmem>>, vector<256x1xf32>
      %add3A_85 = arith.addf %get3A_84, %dot_general3A_79 : vector<256x1xf32>
      %mul3A_86 = arith.constant 256 : i32
      %mul3A_87 = arith.muli %scan3A_67, %mul3A_86 : i32
      %swap3A = arith.index_cast %mul3A_87 : i32 to index
      %swap3A_88 = arith.constant 0 : index
      %swap3A_89 = vector.load %arg12[%swap3A, %swap3A_88] : memref<4096x1xf32, #tpu.memory_space<vmem>>, vector<256x1xf32>
      tpu.vector_store %arg12[%swap3A, %swap3A_88], %add3A_85 {strides = array<i32>} : memref<4096x1xf32, #tpu.memory_space<vmem>>, vector<256x1xf32>,
    }
    %scan3A_66 = arith.constant 16 : i32
    return
  }
}

</mosaic_0001>

<sc_bundles>
// kernel: kernel.4.cloned.1.call-start
scs
__scs_entry_jumppad:
0x0: {  	(pc) =	sbr.rel $0x88, $3  }
0x1: {  	(tag) =	ssettag $0x0;
	lr =	simm.s32 $0x1  }
0x2: {  	[smem:$0x3F93] =	sst lr;
	_ =	strace $0xD0000000  }
0x3: {  	_ = 	snop  }
0x4: {  	_ = 	snop  }
0x5: {  	_ = 	snop  }
0x6: {  	_ = 	snop  }
0x7: {  	_ = 	snop  }
__scs_overlays_trampoline_lowered:
0x8: {  	[smem:$0x3FA2] =	sst s0  }
0x9: {  	[smem:$0x3FA3] =	sst s1  }
0xa: {  	[smem:$0x3FA4] =	sst s2  }
0xb: {  	[smem:$0x3FA5] =	sst s3  }
0xc: {  	[smem:$0x3FA6] =	sst s4  }
0xd: {  	[smem:$0x3FA7] =	sst s5  }
0xe: {  	[smem:$0x3FA8] =	sst s6  }
0xf: {  	[smem:$0x3FA9] =	sst s7  }
0x10: {  	[smem:$0x3FAA] =	sst s8  }
0x11: {  	[smem:$0x3FAB] =	sst s9;
	s0 =	simm.s32 @!p0 $0x0  }
0x12: {  	s1 =	sld [smem:$0x3F91];
	s0 =	simm.s32 @p0 $0x1  }
0x13: {  	[smem:$0x3FAC] =	sst s0;
	s0 =	simm.s32 @!p1 $0x0  }
0x14: {  	s2 =	sld [smem:$0x3F90];
	s0 =	simm.s32 @p1 $0x1  }
0x15: {  	[smem:$0x3FAD] =	sst s0;
	s0 =	simm.s32 @!p2 $0x0  }
0x16: {  	s3 =	sld [smem:$0x3FDB];
	s0 =	simm.s32 @p2 $0x1  }
0x17: {  	s4 =	simm.s32 $0x1BF5;
	[smem:$0x3FAF] =	sst s0  }
0x18: {  	s0 =	sld [smem:$0x3F92];
	_ =	swait.ge [sflag:s4], $0x0  }
0x19: {  	s7 =	sld [smem:$0x3F93]  }
0x1a: {  	s8 =	sadd.s32 $0xFFFFE003, lr  }
0x1b: {  	s9 =	sadd.s32 $0xFFFFFEF7, lr;
	s5 =	simm.s32 $0xFFFFFFFF;
	p2 =	slt.u32 s8, $0xFFFFF086  }
0x1c: {  	p1 =	slt.u32 s9, $0xF7A;
	s5 =	simm.s32 @!p2 $0x0  }
0x1d: {  	s5 =	simm.s32 @p1 $0x1;
	p0 =	seq.s32 s7, s2  }
0x1e: {  	s7 =	smul.u32 @!p0 $0xF7A, s2;
	p2 =	seq.s32 @!p0 s5, $0x0  }
0x1f: {  	s9 =	smul.u32 $0xF7A, s1;
	s8 =	simm.s32 @!p0 $0x1BF5;
	p2 =	por !p2, p0  }
0x20: {  	[sflag:s8] =	ssyncset.s32 @!p0 $0xFFFFF086;
	s6 =	sadd.s32 @!p0 s3, s7;
	s7 =	simm.s32 @!p0 $0x108  }
0x21: {  	s3 =	sadd.s32 s3, s9;
	s6 =	sadd.s32 @!p0 $0x88, s6;
	s7 =	simm.s32 @p2 $0x1082  }
0x22: {  	[simem:s7], [sflag:s8] =	dma.local @!p0 [hbm:s6], $0xF7A  }
0x23: {  	s9 =	sor.u32 $0xD0000000, s2;
	s6 =	simm.s32 $0x108;
	_ =	swait.ge @!p0 [sflag:s8], $0x0  }
0x24: {  	s3 =	sadd.s32 $0x88, s3;
	s6 =	simm.s32 @!p1 $0x1082;
	[sflag:s4] =	ssyncset.s32 $0xFFFFF086  }
0x25: {  	[simem:s6], [sflag:s4] =	dma.local [hbm:s3], $0xF7A  }
0x26: {  	[smem:$0x3F93] =	sst s1;
	(tag) =	ssettag s2;
	_ =	strace s9  }
0x27: {  	s1 =	sld [smem:$0x3FA3]  }
0x28: {  	s2 =	sld [smem:$0x3FA4]  }
0x29: {  	s4 =	sld [smem:$0x3FA6]  }
0x2a: {  	p0 =	seq.s32 s5, $0x0;
	s5 =	sld [smem:$0x3FA7]  }
0x2b: {  	s6 =	sld [smem:$0x3FA8]  }
0x2c: {  	s7 =	sld [smem:$0x3FA9]  }
0x2d: {  	s3 =	simm.s32 $0x108;
	s8 =	sld [smem:$0x3FAA]  }
0x2e: {  	s3 =	simm.s32 @!p0 $0x1082;
	s9 =	sld [smem:$0x3FAB]  }
0x2f: {  	lr =	sadd.s32 s0, s3;
	s0 =	sld [smem:$0x3FA2]  }
0x30: {  	s3 =	sld [smem:$0x3FA5]  }
0x31: {  	[smem:$0x3FAE] =	sst s10  }
0x32: {  	s10 =	sld [smem:$0x3FAC];
	_ =	sdelay $0x3  }
0x33: {  	p0 =	seq.s32 s10, $0x1;
	s10 =	sld [smem:$0x3FAE];
	_ =	sdelay $0x3  }
0x34: {  	[smem:$0x3FAE] =	sst s10  }
0x35: {  	s10 =	sld [smem:$0x3FAD];
	_ =	sdelay $0x3  }
0x36: {  	p1 =	seq.s32 s10, $0x1;
	s10 =	sld [smem:$0x3FAE];
	_ =	sdelay $0x3  }
0x37: {  	[smem:$0x3FAE] =	sst s10  }
0x38: {  	s10 =	sld [smem:$0x3FAF]  }
0x39: {  	_ = 	snop;
	(pc) =	sbr.ind lr, $3  }
0x3a: {  	_ = 	snop  }
0x3b: {  	_ = 	snop  }
0x3c: {  	p2 =	seq.s32 s10, $0x1;
	s10 =	sld [smem:$0x3FAE]  }
0x3d: {  	_ =	shalt  }
0x3e: {  	_ =	shalt  }
0x3f: {  	_ =	shalt  }
0x40: {  	_ =	shalt  }
0x41: {  	_ =	shalt  }
0x42: {  	_ =	shalt  }
0x43: {  	_ =	shalt  }
0x44: {  	_ =	shalt  }
0x45: {  	_ =	shalt  }
0x46: {  	_ =	shalt  }
0x47: {  	_ =	shalt  }
0x48: {  	_ =	shalt  }
0x49: {  	_ =	shalt  }
0x4a: {  	_ =	shalt  }
0x4b: {  	_ =	shalt  }
0x4c: {  	_ =	shalt  }
0x4d: {  	_ =	shalt  }
0x4e: {  	_ =	shalt  }
0x4f: {  	_ =	shalt  }
0x50: {  	_ =	shalt  }
0x51: {  	_ =	shalt  }
0x52: {  	_ =	shalt  }
0x53: {  	_ =	shalt  }
0x54: {  	_ =	shalt  }
0x55: {  	_ =	shalt  }
0x56: {  	_ =	shalt  }
0x57: {  	_ =	shalt  }
0x58: {  	_ =	shalt  }
0x59: {  	_ =	shalt  }
0x5a: {  	_ =	shalt  }
0x5b: {  	_ =	shalt  }
0x5c: {  	_ =	shalt  }
0x5d: {  	_ =	shalt  }
0x5e: {  	_ =	shalt  }
0x5f: {  	_ =	shalt  }
0x60: {  	_ =	shalt  }
0x61: {  	_ =	shalt  }
0x62: {  	_ =	shalt  }
0x63: {  	_ =	shalt  }
0x64: {  	_ =	shalt  }
0x65: {  	_ =	shalt  }
0x66: {  	_ =	shalt  }
0x67: {  	_ =	shalt  }
0x68: {  	_ =	shalt  }
0x69: {  	_ =	shalt  }
0x6a: {  	_ =	shalt  }
0x6b: {  	_ =	shalt  }
0x6c: {  	_ =	shalt  }
0x6d: {  	_ =	shalt  }
0x6e: {  	_ =	shalt  }
0x6f: {  	_ =	shalt  }
0x70: {  	_ =	shalt  }
0x71: {  	_ =	shalt  }
0x72: {  	_ =	shalt  }
0x73: {  	_ =	shalt  }
0x74: {  	_ =	shalt  }
0x75: {  	_ =	shalt  }
0x76: {  	_ =	shalt  }
0x77: {  	_ =	shalt  }
0x78: {  	_ =	shalt  }
0x79: {  	_ =	shalt  }
0x7a: {  	_ =	shalt  }
0x7b: {  	_ =	shalt  }
0x7c: {  	_ =	shalt  }
0x7d: {  	_ =	shalt  }
0x7e: {  	_ =	shalt  }
0x7f: {  	_ =	shalt  }
0x80: {  	_ =	shalt  }
0x81: {  	_ =	shalt  }
0x82: {  	_ =	shalt  }
0x83: {  	_ =	shalt  }
0x84: {  	_ =	shalt  }
0x85: {  	_ =	shalt  }
0x86: {  	_ =	shalt  }
0x87: {  	_ =	shalt  }
.Lfunc_end0:
.L_simem_size_0:
called_computation_lowered:
.L_overlay_start_0:
0x88: {  	s2 =	sld [smem:$0x3FD9]  }
0x89: {  	s3 =	sld [smem:$0x3FFE];
	_ =	sdelay $0x1  }
0x8a: {  	s1 =	srdreg.scid  }
0x8b: {  	s0 =	sand.u32 $0x1, s1  }
0x8c: {  	s17 =	sshll.u32 s0, $0xA;
	s2 =	sadd.s32 s3, s2  }
0x8d: {  	s2 =	sadd.s32 s2, s17  }
0x8e: {  	[smem:$0x3FBA] =	sst s2  }
0x8f: {  	_ = 	snop  }
0x90: {  	s2 =	sld [smem:$0x3FD0];
	(tm) =	ssettm $0x1  }
0x91: {  	s18 =	sld [smem:$0x3FFB];
	_ =	sdelay $0x3  }
0x92: {  	_ =	strace s18  }
0x93: {  	s3 =	sld [smem:$0x3FFC];
	_ =	sdelay $0x3  }
0x94: {  	_ =	strace s3  }
0x95: {  	s3 =	sld [smem:$0x3FFD];
	_ =	sdelay $0x3  }
0x96: {  	_ =	strace s3  }
0x97: {  	_ =	strace $0x8FFFFFFF  }
0x98: {  	s19 =	sld [smem:$0x3FDB];
	_ =	sdelay $0x1  }
0x99: {  	s4 =	simm.s32 $_scs_section_size  }
0x9a: {  	s5 =	simm.s32 $_size__tile_overlayer_lowered;
	s6 =	simm.s32 $_tile_overlayer_lowered  }
0x9b: {  	s22 =	simm.s32 $0x1BFF;
	s21 =	sshll.u32 s6, $0x1;
	s3 =	sadd.s32 s4, s19  }
0x9c: {  	s7 =	simm.s32 $0x0;
	s20 =	sshll.u32 s5, $0x1;
	s5 =	sadd.s32 s21, s3  }
0x9d: {  	[timem:s7], [sflag:s22] =	dma.local [hbm:s5], s20  }
0x9e: {  	_ =	swait.ge [sflag:s22], s20  }
0x9f: {  	s4 =	ssub.s32 $0x0, s20;
	[sflag:s22] =	ssyncset.done $0x0  }
0xa0: {  	[sflag:s22] =	ssyncadd.s32 s4;
	_ =	sdelay $0x1  }
0xa1: {  	s23 =	simm.s32 $0x1B8B  }
0xa2: {  	_ =	swait.ge [sflag:s23], $0x1  }
0xa3: {  	[sflag:s23] =	ssyncset.done $0x0  }
0xa4: {  	s25 =	simm.s32 $0x1B8E;
	s24 =	sld [smem:$0x3FFE];
	[sflag:s23] =	ssyncadd.s32 $0xFFFFFFFF  }
0xa5: {  	s26 =	simm.s32 $execute0_lowered;
	[smem:$0x3FD2] =	sst s25  }
0xa6: {  	s5 =	sshll.u32 s26, $0x1;
	_ =	strace $0x80000046;
	[dreg:$0x1] =	wrdreg $0xFFFFFFFF  }
0xa7: {  	s28 =	simm.s32 $_size_execute0_lowered;
	s3 =	sadd.s32 s3, s5;
	[dreg:$0x0] =	wrdreg $0x0  }
0xa8: {  	s5 =	sshll.u32 s28, $0x1;
	[dreg:$0x2] =	wrdreg s3  }
0xa9: {  	[dreg:$0x3] =	wrdreg s5  }
0xaa: {  	[dreg:$0x4] =	wrdreg $0xC0  }
0xab: {  	_ =	task [dreg:s7], $0x5FFFF  }
0xac: {  	[dreg:$0x1] =	wrdreg $0xFFFFFFFF  }
0xad: {  	[dreg:$0x0] =	wrdreg $0x60  }
0xae: {  	[dreg:$0x2] =	wrdreg s24  }
0xaf: {  	[dreg:$0x3] =	wrdreg s2  }
0xb0: {  	[dreg:$0x4] =	wrdreg $0x9  }
0xb1: {  	_ =	task.clear_ibuf [dreg:s7], $0x5FFFF;
	_ =	strace $0x90000046  }
0xb2: {  	s29 =	simm.s32 $0x9;
	_ =	strace $0x80000048  }
0xb3: {  	_ =	swait.ge [sflag:s29], $0x1  }
0xb4: {  	[sflag:s29] =	ssyncadd.s32 $0xFFFFFFFF  }
0xb5: {  	_ =	strace $0x90000048  }
0xb6: {  	_ =	sfence  }
0xb7: {  	s30 =	sld [smem:$0x0];
	_ =	sdelay $0x2  }
0xb8: {  	s31 =	sshll.u32 s1, $0xD;
	s1 =	sshrl.u32 s1, $0x2  }
0xb9: {  	s3 =	sand.u32 $0x4000, s31;
	s1 =	sadd.s32 s1, s30  }
0xba: {  	s0 =	sor.u32 s3, s0;
	s1 =	sshll.u32 s1, $0x11  }
0xbb: {  	s0 =	sor.u32 s1, s0  }
0xbc: {  	s0 =	sadd.s32 $0x8F2B, s0  }
0xbd: {  	[sflag:s0] =	ssyncadd.remote.s32 $0x1  }
0xbe: {  	_ =	sfence.sel $0xFFFF  }
0xbf: {  	[dreg:$0x0] =	wrdreg $0xFFFFFFFF;
	(pc) =	sbr.abs _section_cstart, $3  }
0xc0: {  	[dreg:$0x1] =	wrdreg $0xFFFFFFFF  }
0xc1: {  	_ =	task.clear_ibuf [dreg:s7], $0x2FFFF;
	_ =	strace $0x9FFFFFFF  }
0xc2: {  	(tm) =	ssettm $0x7FFFFFFF  }
0xc3: {  	_ =	shalt  }
tec
execute0_lowered:
.L_overlay_start_1:
0x0: {  	(tag) =	ssettag $0x1  }
0x1: {  	s0 =	rddreg [dreg:$0x0];
	s1 =	srdreg.scid  }
0x2: {  	s9 =	stileid.u32;
	s7 =	rddreg [dreg:$0x1]  }
0x3: {  	s2 =	simm.s32 $0x0;
	s11 =	simm.s32 $0x80;
	s30 =	simm.s32 $0xA00  }
0x4: {  	s31 =	simm.s32 $0xAD00;
	s12 =	simm.s32 $0xB00;
	s13 =	simm.s32 $0xBD00  }
0x5: {  	s14 =	simm.s32 $0xB80;
	s15 =	simm.s32 $0xC500;
	s16 =	simm.s32 $0xC00  }
0x6: {  	s17 =	simm.s32 $0xCD00;
	s18 =	simm.s32 $0xC80;
	s19 =	simm.s32 $0xD500  }
0x7: {  	s20 =	simm.s32 $0xDD00;
	s21 =	simm.s32 $0xED80;
	s22 =	simm.s32 $0xED00  }
0x8: {  	s23 =	simm.s32 $0x1;
	s24 =	simm.s32 $0x2;
	s1 =	sand.u32 $0x1, s1  }
0x9: {  	s3 =	sshll.u32 s9, $0x1;
	[smem:$0x7FF] =	sst s2;
	s9 =	smul.u32 $0x3400, s9  }
0xa: {  	s6 =	sor.u32 s1, s3;
	s10 =	ssub.s32 $0x2, s1;
	s1 =	smul.u32 $0x1A00, s1  }
0xb: {  	s25 =	simm.s32 $0x0;
	_ =	strace $0x80000047;
	s3 =	smul.u32 $0x1A0, s6  }
0xc: {  	s4 =	sshll.u32 s6, $0x9;
	s28 =	sshrl.u32 s10, $0x1;
	s29 =	sshll.u32 s6, $0x4  }
0xd: {  	s8 =	sadd.s32 s4, s0;
	s4 =	sadd.s32 $0x1600, s0;
	s7 =	sadd.s32 s7, s29  }
0xe: {  	s5 =	sadd.s32 s3, s0;
	s3 =	sadd.s32 $0x15600, s0;
	s0 =	sadd.s32 s9, s0  }
0xf: {  	s9 =	ssub.s32 s10, s28;
	s6 =	sadd.s32 $0xE200, s8;
	s10 =	simm.s32 $0x3  }
0x10: {  	v0 =	vlaneseq.u32;
	s5 =	sadd.s32 $0x12200, s5;
	s0 =	sadd.s32 s1, s0;
	s8 =	smax.u32 s9, $0x1  }
0x11: {  	v0 =	vmul.u32 $0x20, v0;
	s1 =	simm.s32 $0xA80;
	s9 =	sadd.s32 $0x16400, s0;
	s0 =	simm.s32 $0xB500  }
.LBB2_1:
0x12: {  	[tilespmem:s2], [sflag:$0x3] =	stream.linear.gather [hbm4b:s5+s2], $0xD00, $0x38;
	[tilespmem:$0xF168] =	vst v63  }
0x13: {  	_ =	swait.ge [sflag:s10], $0xD00  }
0x14: {  	[sflag:s10] =	ssyncset.done $0x0  }
0x15: {  	s26 =	simm.s32 $0xD00;
	[sflag:s10] =	ssyncadd.s32 $0xFFFFF300  }
0x16: {  	[tilespmem:s26], [sflag:$0x1] =	stream.indirect.gather [hbm4b:s4+s11], $0x10, s2, s11, $0xb8;
	[tilespmem:$0xF168] =	vst v63  }
0x17: {  	s29 =	simm.s32 $0x1500  }
0x18: {  	[tilespmem:s29], [sflag:$0x1] =	stream.indirect.gather [hbm4b:s4+s11], $0x10, s11, s11, $0xb8;
	[tilespmem:$0xF168] =	vst v63  }
0x19: {  	s28 =	simm.s32 $0x1D00;
	s29 =	simm.s32 $0x100  }
0x1a: {  	[tilespmem:s28], [sflag:$0x1] =	stream.indirect.gather [hbm4b:s4+s11], $0x10, s29, s11, $0xb8;
	[tilespmem:$0xF168] =	vst v63  }
0x1b: {  	s29 =	simm.s32 $0x180;
	s28 =	simm.s32 $0x2500  }
0x1c: {  	[tilespmem:s28], [sflag:$0x1] =	stream.indirect.gather [hbm4b:s4+s11], $0x10, s29, s11, $0xb8;
	[tilespmem:$0xF168] =	vst v63  }
0x1d: {  	s29 =	simm.s32 $0x200;
	s28 =	simm.s32 $0x2D00  }
0x1e: {  	[tilespmem:s28], [sflag:$0x1] =	stream.indirect.gather [hbm4b:s4+s11], $0x10, s29, s11, $0xb8;
	[tilespmem:$0xF168] =	vst v63  }
0x1f: {  	s29 =	simm.s32 $0x280;
	s28 =	simm.s32 $0x3500  }
0x20: {  	[tilespmem:s28], [sflag:$0x1] =	stream.indirect.gather [hbm4b:s4+s11], $0x10, s29, s11, $0xb8;
	[tilespmem:$0xF168] =	vst v63  }
0x21: {  	s29 =	simm.s32 $0x300;
	s28 =	simm.s32 $0x3D00  }
0x22: {  	[tilespmem:s28], [sflag:$0x1] =	stream.indirect.gather [hbm4b:s4+s11], $0x10, s29, s11, $0xb8;
	[tilespmem:$0xF168] =	vst v63  }
0x23: {  	s29 =	simm.s32 $0x380;
	s28 =	simm.s32 $0x4500  }
0x24: {  	[tilespmem:s28], [sflag:$0x1] =	stream.indirect.gather [hbm4b:s4+s11], $0x10, s29, s11, $0xb8;
	[tilespmem:$0xF168] =	vst v63  }
0x25: {  	s29 =	simm.s32 $0x400;
	s28 =	simm.s32 $0x4D00  }
0x26: {  	[tilespmem:s28], [sflag:$0x1] =	stream.indirect.gather [hbm4b:s4+s11], $0x10, s29, s11, $0xb8;
	[tilespmem:$0xF168] =	vst v63  }
0x27: {  	s29 =	simm.s32 $0x480;
	s28 =	simm.s32 $0x5500  }
0x28: {  	[tilespmem:s28], [sflag:$0x1] =	stream.indirect.gather [hbm4b:s4+s11], $0x10, s29, s11, $0xb8;
	[tilespmem:$0xF168] =	vst v63  }
0x29: {  	s29 =	simm.s32 $0x500;
	s28 =	simm.s32 $0x5D00  }
0x2a: {  	[tilespmem:s28], [sflag:$0x1] =	stream.indirect.gather [hbm4b:s4+s11], $0x10, s29, s11, $0xb8;
	[tilespmem:$0xF168] =	vst v63  }
0x2b: {  	s29 =	simm.s32 $0x580;
	s28 =	simm.s32 $0x6500  }
0x2c: {  	[tilespmem:s28], [sflag:$0x1] =	stream.indirect.gather [hbm4b:s4+s11], $0x10, s29, s11, $0xb8;
	[tilespmem:$0xF168] =	vst v63  }
0x2d: {  	s29 =	simm.s32 $0x600;
	s28 =	simm.s32 $0x6D00  }
0x2e: {  	[tilespmem:s28], [sflag:$0x1] =	stream.indirect.gather [hbm4b:s4+s11], $0x10, s29, s11, $0xb8;
	[tilespmem:$0xF168] =	vst v63  }
0x2f: {  	s29 =	simm.s32 $0x680;
	s28 =	simm.s32 $0x7500  }
0x30: {  	[tilespmem:s28], [sflag:$0x1] =	stream.indirect.gather [hbm4b:s4+s11], $0x10, s29, s11, $0xb8;
	[tilespmem:$0xF168] =	vst v63  }
0x31: {  	s29 =	simm.s32 $0x700;
	s28 =	simm.s32 $0x7D00  }
0x32: {  	[tilespmem:s28], [sflag:$0x1] =	stream.indirect.gather [hbm4b:s4+s11], $0x10, s29, s11, $0xb8;
	[tilespmem:$0xF168] =	vst v63  }
0x33: {  	s29 =	simm.s32 $0x780;
	s28 =	simm.s32 $0x8500  }
0x34: {  	[tilespmem:s28], [sflag:$0x1] =	stream.indirect.gather [hbm4b:s4+s11], $0x10, s29, s11, $0xb8;
	[tilespmem:$0xF168] =	vst v63  }
0x35: {  	s29 =	simm.s32 $0x800;
	s28 =	simm.s32 $0x8D00  }
0x36: {  	[tilespmem:s28], [sflag:$0x1] =	stream.indirect.gather [hbm4b:s4+s11], $0x10, s29, s11, $0xb8;
	[tilespmem:$0xF168] =	vst v63  }
0x37: {  	s29 =	simm.s32 $0x880;
	s28 =	simm.s32 $0x9500  }
0x38: {  	[tilespmem:s28], [sflag:$0x1] =	stream.indirect.gather [hbm4b:s4+s11], $0x10, s29, s11, $0xb8;
	[tilespmem:$0xF168] =	vst v63  }
0x39: {  	s29 =	simm.s32 $0x900;
	s28 =	simm.s32 $0x9D00  }
0x3a: {  	[tilespmem:s28], [sflag:$0x1] =	stream.indirect.gather [hbm4b:s4+s11], $0x10, s29, s11, $0xb8;
	[tilespmem:$0xF168] =	vst v63  }
0x3b: {  	s29 =	simm.s32 $0x980;
	s28 =	simm.s32 $0xA500  }
0x3c: {  	[tilespmem:s28], [sflag:$0x1] =	stream.indirect.gather [hbm4b:s4+s11], $0x10, s29, s11, $0xb8;
	[tilespmem:$0xF168] =	vst v63  }
0x3d: {  	_ = 	snop  }
0x3e: {  	[tilespmem:s31], [sflag:$0x1] =	stream.indirect.gather [hbm4b:s4+s11], $0x10, s30, s11, $0xb8;
	[tilespmem:$0xF168] =	vst v63  }
0x3f: {  	_ = 	snop  }
0x40: {  	[tilespmem:s0], [sflag:$0x1] =	stream.indirect.gather [hbm4b:s4+s11], $0x10, s1, s11, $0xb8;
	[tilespmem:$0xF168] =	vst v63  }
0x41: {  	_ = 	snop  }
0x42: {  	[tilespmem:s13], [sflag:$0x1] =	stream.indirect.gather [hbm4b:s4+s11], $0x10, s12, s11, $0xb8;
	[tilespmem:$0xF168] =	vst v63  }
0x43: {  	_ = 	snop  }
0x44: {  	[tilespmem:s15], [sflag:$0x1] =	stream.indirect.gather [hbm4b:s4+s11], $0x10, s14, s11, $0xb8;
	[tilespmem:$0xF168] =	vst v63  }
0x45: {  	_ = 	snop  }
0x46: {  	[tilespmem:s17], [sflag:$0x1] =	stream.indirect.gather [hbm4b:s4+s11], $0x10, s16, s11, $0xb8;
	[tilespmem:$0xF168] =	vst v63  }
0x47: {  	_ = 	snop  }
0x48: {  	[tilespmem:s19], [sflag:$0x1] =	stream.indirect.gather [hbm4b:s4+s11], $0x10, s18, s11, $0xb8;
	[tilespmem:$0xF168] =	vst v63  }
0x49: {  	_ = 	snop  }
0x4a: {  	[tilespmem:s20], [sflag:$0x3] =	stream.linear.gather [hbm4b:s6+s2], $0x1000, $0x38;
	[tilespmem:$0xF168] =	vst v63  }
0x4b: {  	_ =	swait.ge [sflag:s10], $0x1000  }
0x4c: {  	[sflag:s10] =	ssyncset.done $0x0  }
0x4d: {  	[sflag:s10] =	ssyncadd.s32 $0xFFFFF000  }
0x4e: {  	[tilespmem:s21], [sflag:$0x3] =	stream.linear.gather [hbm4b:s3+s2], $0x3E8, $0x38;
	[tilespmem:$0xF168] =	vst v63  }
0x4f: {  	_ =	swait.ge [sflag:s10], $0x3E8  }
0x50: {  	[sflag:s10] =	ssyncset.done $0x0  }
0x51: {  	s26 =	simm.s32 $0xED00;
	s28 =	simm.s32 $0x0;
	[sflag:s10] =	ssyncadd.s32 $0xFFFFFC18  }
.LBB2_2:
0x52: {  	v1 =	vmov s28  }
0x53: {  	v1 =	vshll.u32 v1, $0x5  }
0x54: {  	v20 =	vor.u32 v0, v1  }
0x55: {  	v1 =	vor.u32 $0x1, v20;
	_ =	sdelay $0x1  }
0x56: {  	v2 =	vor.u32 $0x2, v20;
	_ =	sdelay $0x2  }
0x57: {  	v3 =	vld.idx.msk [tilespmem:v1+s20+$0x0], $0xffff;
	v1 =	vor.u32 $0x3, v20  }
0x58: {  	v6 =	vor.u32 $0x4, v20;
	v5 =	vld.idx.msk [tilespmem:v20+s20+$0x0], $0xffff  }
0x59: {  	v55 =	vor.u32 $0x5, v20;
	v4 =	vld.idx.msk [tilespmem:v2+s20+$0x0], $0xffff  }
0x5a: {  	v8 =	vor.u32 $0x6, v20  }
0x5b: {  	v10 =	vor.u32 $0x7, v20;
	v11 =	vor.u32 $0x8, v20;
	v12 =	vor.u32 $0x9, v20  }
0x5c: {  	v21 =	vor.u32 $0xA, v20;
	v23 =	vor.u32 $0xB, v20;
	v13 =	vor.u32 $0xC, v20;
	v2 =	vld.idx.msk [tilespmem:v1+s20+$0x0], $0xffff  }
0x5d: {  	v14 =	vor.u32 $0xD, v20;
	v15 =	vor.u32 $0xE, v20;
	v16 =	vor.u32 $0xF, v20;
	v1 =	vld.idx.msk [tilespmem:v6+s20+$0x0], $0xffff  }
0x5e: {  	v58 =	vor.u32 $0x10, v20;
	v59 =	vor.u32 $0x11, v20;
	v63 =	vor.u32 $0x12, v20;
	v6 =	vld.idx.msk [tilespmem:v55+s20+$0x0], $0xffff  }
0x5f: {  	v32 =	vor.u32 $0x13, v20;
	v27 =	vor.u32 $0x14, v20;
	v40 =	vor.u32 $0x15, v20;
	v7 =	vld.idx.msk [tilespmem:v3+s21+$0x0], $0xffff  }
0x60: {  	v25 =	vor.u32 $0x16, v20;
	v44 =	vor.u32 $0x17, v20;
	v47 =	vor.u32 $0x18, v20;
	v9 =	vld.idx.msk [tilespmem:v5+s21+$0x0], $0xffff  }
0x61: {  	v49 =	vor.u32 $0x19, v20;
	vm0 =	veq.s32 v3, v5;
	vm6 =	veq.s32 v4, v5;
	v17 =	vld.idx.msk [tilespmem:v4+s21+$0x0], $0xffff  }
0x62: {  	vm1 =	veq.s32 v4, v3;
	vm7 =	veq.s32 v2, v5;
	vm8 =	veq.s32 v2, v3  }
0x63: {  	vm9 =	veq.s32 v2, v4;
	vm10 =	veq.s32 v1, v5;
	vm2 =	veq.s32 v1, v3  }
0x64: {  	vm12 =	veq.s32 v1, v4;
	vm13 =	veq.s32 v1, v2;
	v7 =	vsel vm0, $0x0, v7;
	v18 =	vld.idx.msk [tilespmem:v2+s21+$0x0], $0xffff  }
0x65: {  	v33 =	vld.idx.msk [tilespmem:v21+s20+$0x0], $0xffff;
	vm14 =	veq.s32 v6, v5;
	vm0 =	vmor vm6, vm1;
	v7 =	vadd.f32 v7, v9  }
0x66: {  	vm3 =	veq.s32 v6, v3;
	vm4 =	veq.s32 v6, v4;
	v19 =	vld.idx.msk [tilespmem:v1+s21+$0x0], $0xffff;
	v56 =	vsel vm0, $0x0, v17  }
0x67: {  	vm15 =	vmor vm14, vm3;
	vm0 =	vmor vm7, vm8;
	v9 =	vadd.f32 v56, v7;
	v7 =	vld.idx.msk [tilespmem:v8+s20+$0x0], $0xffff  }
0x68: {  	vm11 =	vmor vm10, vm2;
	vm5 =	vmor vm4, vm15;
	v22 =	vld.idx.msk [tilespmem:v6+s21+$0x0], $0xffff;
	vm0 =	vmor vm9, vm0  }
0x69: {  	vm6 =	veq.s32 v6, v2;
	v8 =	vld.idx.msk [tilespmem:v10+s20+$0x0], $0xffff;
	v57 =	vsel vm0, $0x0, v18;
	vm0 =	vmor vm12, vm11  }
0x6a: {  	vm7 =	veq.s32 v6, v1;
	v9 =	vadd.f32 v57, v9;
	vm0 =	vmor vm13, vm0  }
0x6b: {  	v19 =	vsel vm0, $0x0, v19;
	vm0 =	vmor vm6, vm5;
	vm5 =	veq.s32 v33, v4  }
0x6c: {  	v9 =	vadd.f32 v19, v9;
	vm8 =	veq.s32 v7, v5;
	vm9 =	veq.s32 v7, v3  }
0x6d: {  	vm0 =	vmor vm7, vm0;
	vm11 =	veq.s32 v7, v4;
	vm13 =	veq.s32 v7, v2  }
0x6e: {  	vm14 =	veq.s32 v7, v1;
	vm15 =	veq.s32 v8, v5;
	v60 =	vsel vm0, $0x0, v22  }
0x6f: {  	vm6 =	veq.s32 v8, v3;
	vm10 =	vmor vm8, vm9;
	v10 =	vadd.f32 v60, v9;
	v9 =	vld.idx.msk [tilespmem:v11+s20+$0x0], $0xffff  }
0x70: {  	vm7 =	veq.s32 v7, v6;
	vm1 =	vmor vm15, vm6;
	vm12 =	vmor vm11, vm10;
	v61 =	vld.idx.msk [tilespmem:v7+s21+$0x0], $0xffff  }
0x71: {  	vm8 =	veq.s32 v8, v4;
	vm9 =	veq.s32 v8, v2;
	vm0 =	vmor vm13, vm12  }
0x72: {  	vm1 =	vmor vm8, vm1;
	vm11 =	veq.s32 v8, v1;
	vm0 =	vmor vm14, vm0  }
0x73: {  	vm10 =	vmor vm9, vm1;
	vm12 =	veq.s32 v8, v6;
	vm0 =	vmor vm7, vm0  }
0x74: {  	v30 =	vld.idx.msk [tilespmem:v8+s21+$0x0], $0xffff;
	vm7 =	veq.s32 v8, v7;
	vm13 =	veq.s32 v9, v5;
	vm14 =	veq.s32 v9, v3  }
0x75: {  	vm6 =	veq.s32 v9, v4;
	vm8 =	veq.s32 v9, v2;
	v62 =	vsel vm0, $0x0, v61  }
0x76: {  	vm0 =	vmor vm11, vm10;
	vm15 =	vmor vm13, vm14;
	v11 =	vadd.f32 v62, v10;
	v10 =	vld.idx.msk [tilespmem:v12+s20+$0x0], $0xffff  }
0x77: {  	vm9 =	veq.s32 v9, v1;
	vm0 =	vmor vm12, vm0;
	vm1 =	vmor vm6, vm15  }
0x78: {  	vm11 =	veq.s32 v9, v6;
	vm0 =	vmor vm7, vm0;
	vm1 =	vmor vm8, vm1  }
0x79: {  	vm12 =	veq.s32 v9, v7;
	v24 =	vld.idx.msk [tilespmem:v9+s21+$0x0], $0xffff;
	v31 =	vsel vm0, $0x0, v30;
	vm10 =	vmor vm9, vm1  }
0x7a: {  	vm7 =	veq.s32 v9, v8;
	v12 =	vadd.f32 v31, v11;
	vm0 =	vmor vm11, vm10  }
0x7b: {  	vm0 =	vmor vm12, vm0;
	vm13 =	veq.s32 v10, v5;
	vm14 =	veq.s32 v10, v3  }
0x7c: {  	vm6 =	veq.s32 v10, v4;
	vm8 =	veq.s32 v10, v2;
	vm0 =	vmor vm7, vm0  }
0x7d: {  	v36 =	vld.idx.msk [tilespmem:v23+s20+$0x0], $0xffff;
	vm9 =	veq.s32 v10, v1;
	vm11 =	veq.s32 v10, v6;
	vm12 =	veq.s32 v10, v7  }
0x7e: {  	vm7 =	veq.s32 v10, v9;
	vm15 =	vmor vm13, vm14;
	v34 =	vsel vm0, $0x0, v24  }
0x7f: {  	v13 =	vld.idx.msk [tilespmem:v13+s20+$0x0], $0xffff;
	vm13 =	veq.s32 v33, v5;
	vm14 =	veq.s32 v33, v3;
	vm1 =	vmor vm6, vm15  }
0x80: {  	v21 =	vadd.f32 v34, v12;
	vm15 =	veq.s32 v10, v8;
	vm1 =	vmor vm8, vm1  }
0x81: {  	vm6 =	veq.s32 v33, v2;
	vm8 =	veq.s32 v33, v1;
	vm10 =	vmor vm9, vm1  }
0x82: {  	vm1 =	vmor vm13, vm14;
	vm9 =	veq.s32 v33, v6;
	vm13 =	veq.s32 v36, v5  }
0x83: {  	vm14 =	veq.s32 v36, v3;
	vm0 =	vmor vm11, vm10;
	vm1 =	vmor vm5, vm1  }
0x84: {  	vm11 =	veq.s32 v33, v7;
	vm5 =	veq.s32 v13, v8;
	vm0 =	vmor vm12, vm0  }
0x85: {  	v35 =	vld.idx.msk [tilespmem:v10+s21+$0x0], $0xffff;
	vm1 =	vmor vm6, vm1;
	vm12 =	veq.s32 v33, v8;
	vm6 =	veq.s32 v36, v4  }
0x86: {  	vm0 =	vmor vm15, vm0;
	vm1 =	vmor vm8, vm1;
	vm15 =	vmor vm13, vm14  }
0x87: {  	vm8 =	veq.s32 v36, v2;
	vm14 =	veq.s32 v36, v8;
	vm0 =	vmor vm7, vm0  }
0x88: {  	vm10 =	vmor vm9, vm1;
	vm7 =	veq.s32 v33, v9;
	vm1 =	vmor vm6, vm15  }
0x89: {  	vm9 =	veq.s32 v36, v1;
	vm15 =	veq.s32 v36, v9;
	vm6 =	veq.s32 v13, v5  }
0x8a: {  	v37 =	vsel vm0, $0x0, v35;
	vm0 =	vmor vm11, vm10;
	vm1 =	vmor vm8, vm1  }
0x8b: {  	v14 =	vld.idx.msk [tilespmem:v14+s20+$0x0], $0xffff;
	vm10 =	veq.s32 v33, v10;
	vm11 =	veq.s32 v36, v6;
	v21 =	vadd.f32 v37, v21  }
0x8c: {  	v38 =	vld.idx.msk [tilespmem:v33+s21+$0x0], $0xffff;
	vm0 =	vmor vm12, vm0;
	vm1 =	vmor vm9, vm1;
	vm12 =	veq.s32 v36, v7  }
0x8d: {  	vm9 =	veq.s32 v13, v4;
	vm0 =	vmor vm7, vm0;
	vm1 =	vmor vm11, vm1  }
0x8e: {  	vm7 =	veq.s32 v13, v3;
	vm11 =	veq.s32 v13, v2;
	vm0 =	vmor vm10, vm0  }
0x8f: {  	vm13 =	vmor vm12, vm1;
	vm8 =	vmor vm6, vm7;
	vm10 =	veq.s32 v36, v10  }
0x90: {  	vm12 =	veq.s32 v13, v1;
	vm6 =	veq.s32 v13, v9;
	vm7 =	veq.s32 v14, v5  }
0x91: {  	v39 =	vsel vm0, $0x0, v38;
	vm0 =	vmor vm14, vm13;
	vm1 =	vmor vm9, vm8  }
0x92: {  	v41 =	vld.idx.msk [tilespmem:v36+s21+$0x0], $0xffff;
	vm13 =	veq.s32 v36, v33;
	vm14 =	veq.s32 v13, v6;
	vm8 =	veq.s32 v14, v3  }
0x93: {  	vm9 =	veq.s32 v13, v10;
	v21 =	vadd.f32 v39, v21;
	vm0 =	vmor vm15, vm0  }
0x94: {  	vm1 =	vmor vm11, vm1;
	vm15 =	veq.s32 v13, v7;
	vm11 =	veq.s32 v14, v2  }
0x95: {  	vm0 =	vmor vm10, vm0;
	vm1 =	vmor vm12, vm1;
	vm10 =	veq.s32 v14, v4  }
0x96: {  	vm12 =	veq.s32 v13, v33;
	vm0 =	vmor vm13, vm0;
	vm1 =	vmor vm14, vm1  }
0x97: {  	v15 =	vld.idx.msk [tilespmem:v15+s20+$0x0], $0xffff;
	vm13 =	veq.s32 v14, v1;
	vm14 =	veq.s32 v14, v6;
	v24 =	vsel vm0, $0x0, v41  }
0x98: {  	vm4 =	vmor vm15, vm1;
	vm1 =	vmor vm7, vm8;
	vm15 =	veq.s32 v13, v36  }
0x99: {  	vm7 =	veq.s32 v14, v9;
	vm8 =	veq.s32 v14, v10;
	v21 =	vadd.f32 v24, v21  }
0x9a: {  	vm0 =	vmor vm5, vm4;
	vm1 =	vmor vm10, vm1;
	vm4 =	veq.s32 v14, v7  }
0x9b: {  	vm5 =	veq.s32 v14, v8;
	vm0 =	vmor vm6, vm0;
	vm1 =	vmor vm11, vm1  }
0x9c: {  	v42 =	vld.idx.msk [tilespmem:v13+s21+$0x0], $0xffff;
	vm10 =	veq.s32 v15, v3;
	vm0 =	vmor vm9, vm0;
	vm1 =	vmor vm13, vm1  }
0x9d: {  	v16 =	vld.idx.msk [tilespmem:v16+s20+$0x0], $0xffff;
	vm9 =	veq.s32 v15, v5;
	vm13 =	veq.s32 v14, v33;
	vm0 =	vmor vm12, vm0  }
0x9e: {  	vm1 =	vmor vm14, vm1;
	vm11 =	vmor vm9, vm10;
	vm12 =	veq.s32 v15, v4  }
0x9f: {  	vm14 =	veq.s32 v15, v2;
	vm9 =	veq.s32 v14, v13;
	vm10 =	veq.s32 v15, v8  }
0xa0: {  	vm0 =	vmor vm15, vm0;
	vm1 =	vmor vm4, vm1;
	vm15 =	veq.s32 v15, v1  }
0xa1: {  	v24 =	vsel vm0, $0x0, v42;
	vm6 =	vmor vm5, vm1;
	vm1 =	vmor vm12, vm11  }
0xa2: {  	vm11 =	veq.s32 v15, v9;
	vm5 =	veq.s32 v16, v8;
	v24 =	vadd.f32 v24, v21  }
0xa3: {  	vm0 =	vmor vm7, vm6;
	vm1 =	vmor vm14, vm1;
	vm6 =	veq.s32 v14, v36  }
0xa4: {  	vm7 =	veq.s32 v15, v6;
	vm14 =	veq.s32 v15, v33;
	vm0 =	vmor vm8, vm0  }
0xa5: {  	v43 =	vld.idx.msk [tilespmem:v14+s21+$0x0], $0xffff;
	vm1 =	vmor vm15, vm1;
	vm8 =	veq.s32 v15, v7;
	vm15 =	veq.s32 v16, v5  }
0xa6: {  	vm0 =	vmor vm13, vm0;
	vm1 =	vmor vm7, vm1;
	vm13 =	veq.s32 v15, v10  }
0xa7: {  	vm0 =	vmor vm6, vm0;
	vm1 =	vmor vm8, vm1;
	vm6 =	veq.s32 v16, v3  }
0xa8: {  	vm8 =	veq.s32 v16, v4;
	vm0 =	vmor vm9, vm0;
	vm1 =	vmor vm10, vm1  }
0xa9: {  	v17 =	vld.idx.msk [tilespmem:v58+s20+$0x0], $0xffff;
	vm7 =	vmor vm15, vm6;
	vm9 =	veq.s32 v15, v36;
	vm10 =	veq.s32 v16, v2  }
0xaa: {  	vm15 =	veq.s32 v15, v14;
	vm6 =	veq.s32 v16, v9;
	v26 =	vsel vm0, $0x0, v43  }
0xab: {  	vm12 =	vmor vm11, vm1;
	vm1 =	vmor vm8, vm7;
	vm11 =	veq.s32 v16, v1  }
0xac: {  	vm8 =	veq.s32 v16, v10;
	v24 =	vadd.f32 v26, v24;
	vm0 =	vmor vm13, vm12  }
0xad: {  	vm1 =	vmor vm10, vm1;
	vm12 =	veq.s32 v15, v13;
	vm13 =	veq.s32 v16, v6  }
0xae: {  	v45 =	vld.idx.msk [tilespmem:v15+s21+$0x0], $0xffff;
	vm10 =	veq.s32 v17, v5;
	vm0 =	vmor vm14, vm0;
	vm1 =	vmor vm11, vm1  }
0xaf: {  	vm14 =	veq.s32 v16, v7;
	vm11 =	veq.s32 v17, v3;
	vm0 =	vmor vm9, vm0  }
0xb0: {  	vm1 =	vmor vm13, vm1;
	vm9 =	veq.s32 v16, v33;
	vm13 =	veq.s32 v17, v4  }
0xb1: {  	vm0 =	vmor vm12, vm0;
	vm1 =	vmor vm14, vm1;
	vm12 =	veq.s32 v16, v36  }
0xb2: {  	vm14 =	veq.s32 v17, v2;
	vm0 =	vmor vm15, vm0;
	vm1 =	vmor vm5, vm1  }
0xb3: {  	vm15 =	veq.s32 v16, v13;
	vm5 =	veq.s32 v17, v1;
	v26 =	vsel vm0, $0x0, v45  }
0xb4: {  	v54 =	vld.idx.msk [tilespmem:v27+s20+$0x0], $0xffff;
	vm7 =	vmor vm6, vm1;
	vm1 =	vmor vm10, vm11;
	vm6 =	veq.s32 v17, v6  }
0xb5: {  	vm10 =	veq.s32 v16, v15;
	vm11 =	veq.s32 v17, v9;
	v24 =	vadd.f32 v26, v24  }
0xb6: {  	v18 =	vld.idx.msk [tilespmem:v59+s20+$0x0], $0xffff;
	vm0 =	vmor vm8, vm7;
	vm1 =	vmor vm13, vm1;
	vm7 =	veq.s32 v16, v14  }
0xb7: {  	vm8 =	veq.s32 v17, v7;
	vm0 =	vmor vm9, vm0;
	vm1 =	vmor vm14, vm1  }
0xb8: {  	vm9 =	veq.s32 v17, v8;
	vm14 =	veq.s32 v17, v33;
	vm0 =	vmor vm12, vm0  }
0xb9: {  	vm1 =	vmor vm5, vm1;
	vm12 =	veq.s32 v17, v10;
	vm5 =	veq.s32 v54, v9  }
0xba: {  	v46 =	vld.idx.msk [tilespmem:v16+s21+$0x0], $0xffff;
	vm0 =	vmor vm15, vm0;
	vm1 =	vmor vm6, vm1;
	vm15 =	veq.s32 v17, v36  }
0xbb: {  	vm6 =	veq.s32 v18, v5;
	vm0 =	vmor vm7, vm0;
	vm1 =	vmor vm8, vm1  }
0xbc: {  	vm7 =	veq.s32 v18, v3;
	vm1 =	vmor vm9, vm1;
	vm0 =	vmor vm10, vm0  }
0xbd: {  	vm8 =	vmor vm6, vm7;
	vm9 =	veq.s32 v18, v4;
	vm10 =	veq.s32 v17, v13  }
0xbe: {  	vm6 =	veq.s32 v17, v15;
	vm7 =	veq.s32 v18, v8;
	vm1 =	vmor vm11, vm1  }
0xbf: {  	v28 =	vsel vm0, $0x0, v46;
	vm11 =	veq.s32 v18, v2;
	vm13 =	vmor vm12, vm1  }
0xc0: {  	v28 =	vadd.f32 v28, v24;
	vm1 =	vmor vm9, vm8;
	vm12 =	veq.s32 v18, v1  }
0xc1: {  	v19 =	vld.idx.msk [tilespmem:v63+s20+$0x0], $0xffff;
	vm8 =	veq.s32 v18, v9;
	vm9 =	veq.s32 v17, v16;
	vm0 =	vmor vm14, vm13  }
0xc2: {  	vm1 =	vmor vm11, vm1;
	vm13 =	veq.s32 v17, v14;
	vm14 =	veq.s32 v18, v6  }
0xc3: {  	vm11 =	veq.s32 v18, v33;
	vm0 =	vmor vm15, vm0;
	vm1 =	vmor vm12, vm1  }
0xc4: {  	vm15 =	veq.s32 v18, v7;
	vm0 =	vmor vm10, vm0;
	vm1 =	vmor vm14, vm1  }
0xc5: {  	v48 =	vld.idx.msk [tilespmem:v17+s21+$0x0], $0xffff;
	vm10 =	veq.s32 v18, v10;
	vm14 =	veq.s32 v18, v13;
	vm0 =	vmor vm13, vm0  }
0xc6: {  	vm1 =	vmor vm15, vm1;
	vm13 =	veq.s32 v18, v36;
	vm15 =	veq.s32 v19, v5  }
0xc7: {  	vm0 =	vmor vm6, vm0;
	vm1 =	vmor vm7, vm1;
	vm6 =	veq.s32 v19, v3  }
0xc8: {  	vm1 =	vmor vm8, vm1;
	vm0 =	vmor vm9, vm0;
	vm7 =	vmor vm15, vm6  }
0xc9: {  	vm8 =	veq.s32 v19, v4;
	vm9 =	veq.s32 v18, v14;
	vm15 =	veq.s32 v18, v16  }
0xca: {  	vm6 =	veq.s32 v19, v8;
	vm1 =	vmor vm10, vm1;
	v29 =	vsel vm0, $0x0, v48  }
0xcb: {  	vm10 =	veq.s32 v19, v2;
	vm12 =	vmor vm11, vm1;
	v28 =	vadd.f32 v29, v28  }
0xcc: {  	vm1 =	vmor vm8, vm7;
	vm11 =	veq.s32 v19, v1;
	vm7 =	veq.s32 v19, v9  }
0xcd: {  	v51 =	vld.idx.msk [tilespmem:v32+s20+$0x0], $0xffff;
	vm8 =	veq.s32 v18, v17;
	vm0 =	vmor vm13, vm12;
	vm1 =	vmor vm10, vm1  }
0xce: {  	vm12 =	veq.s32 v18, v15;
	vm13 =	veq.s32 v19, v6;
	vm10 =	veq.s32 v19, v33  }
0xcf: {  	vm0 =	vmor vm14, vm0;
	vm1 =	vmor vm11, vm1;
	vm14 =	veq.s32 v19, v7  }
0xd0: {  	v50 =	vld.idx.msk [tilespmem:v18+s21+$0x0], $0xffff;
	vm0 =	vmor vm9, vm0;
	vm1 =	vmor vm13, vm1;
	vm9 =	veq.s32 v19, v10  }
0xd1: {  	vm13 =	veq.s32 v19, v13;
	vm0 =	vmor vm12, vm0;
	vm1 =	vmor vm14, vm1  }
0xd2: {  	vm12 =	veq.s32 v19, v36;
	vm14 =	veq.s32 v51, v5;
	vm0 =	vmor vm15, vm0  }
0xd3: {  	vm1 =	vmor vm6, vm1;
	vm15 =	veq.s32 v51, v3;
	vm6 =	veq.s32 v19, v14  }
0xd4: {  	vm1 =	vmor vm7, vm1;
	vm0 =	vmor vm8, vm0;
	vm7 =	veq.s32 v51, v4  }
0xd5: {  	vm8 =	veq.s32 v51, v2;
	vm1 =	vmor vm9, vm1;
	v52 =	vsel vm0, $0x0, v50  }
0xd6: {  	vm9 =	veq.s32 v19, v15;
	vm11 =	vmor vm10, vm1;
	v28 =	vadd.f32 v52, v28  }
0xd7: {  	vm1 =	vmor vm14, vm15;
	vm10 =	veq.s32 v51, v1;
	vm14 =	veq.s32 v51, v8  }
0xd8: {  	vm15 =	veq.s32 v19, v17;
	vm0 =	vmor vm12, vm11;
	vm1 =	vmor vm7, vm1  }
0xd9: {  	vm11 =	veq.s32 v51, v6;
	vm12 =	veq.s32 v19, v16;
	vm7 =	veq.s32 v51, v10  }
0xda: {  	vm0 =	vmor vm13, vm0;
	vm1 =	vmor vm8, vm1;
	vm13 =	veq.s32 v51, v7  }
0xdb: {  	vm8 =	veq.s32 v19, v18;
	vm0 =	vmor vm6, vm0;
	vm1 =	vmor vm10, vm1  }
0xdc: {  	vm6 =	veq.s32 v51, v9;
	vm10 =	veq.s32 v51, v36;
	vm0 =	vmor vm9, vm0  }
0xdd: {  	v53 =	vld.idx.msk [tilespmem:v19+s21+$0x0], $0xffff;
	vm1 =	vmor vm11, vm1;
	vm9 =	veq.s32 v51, v33;
	vm0 =	vmor vm12, vm0  }
0xde: {  	vm1 =	vmor vm13, vm1;
	vm12 =	veq.s32 v51, v13;
	vm13 =	veq.s32 v51, v14  }
0xdf: {  	vm1 =	vmor vm14, vm1;
	vm0 =	vmor vm15, vm0;
	vm14 =	veq.s32 v54, v5  }
0xe0: {  	vm15 =	veq.s32 v54, v3;
	vm1 =	vmor vm6, vm1;
	vm0 =	vmor vm8, vm0  }
0xe1: {  	vm6 =	veq.s32 v51, v15;
	vm8 =	veq.s32 v54, v2;
	vm1 =	vmor vm7, vm1  }
0xe2: {  	v55 =	vsel vm0, $0x0, v53;
	vm7 =	veq.s32 v54, v4;
	vm1 =	vmor vm9, vm1  }
0xe3: {  	v27 =	vadd.f32 v55, v28;
	vm9 =	veq.s32 v51, v16;
	vm11 =	vmor vm10, vm1  }
0xe4: {  	vm1 =	vmor vm14, vm15;
	vm10 =	veq.s32 v54, v1;
	vm14 =	veq.s32 v54, v8  }
0xe5: {  	vm15 =	veq.s32 v51, v18;
	vm0 =	vmor vm12, vm11;
	vm1 =	vmor vm7, vm1  }
0xe6: {  	v23 =	vld.idx.msk [tilespmem:v40+s20+$0x0], $0xffff;
	vm11 =	veq.s32 v54, v6;
	vm12 =	veq.s32 v51, v17;
	vm7 =	veq.s32 v51, v19  }
0xe7: {  	vm0 =	vmor vm13, vm0;
	vm1 =	vmor vm8, vm1;
	vm13 =	veq.s32 v54, v7  }
0xe8: {  	vm8 =	veq.s32 v54, v33;
	vm0 =	vmor vm6, vm0;
	vm1 =	vmor vm10, vm1  }
0xe9: {  	vm6 =	veq.s32 v54, v10;
	vm0 =	vmor vm9, vm0;
	vm1 =	vmor vm11, vm1  }
0xea: {  	v56 =	vld.idx.msk [tilespmem:v51+s21+$0x0], $0xffff;
	vm9 =	veq.s32 v54, v36;
	vm11 =	veq.s32 v54, v13;
	vm0 =	vmor vm12, vm0  }
0xeb: {  	vm1 =	vmor vm13, vm1;
	vm12 =	veq.s32 v54, v14;
	vm13 =	veq.s32 v23, v5  }
0xec: {  	vm1 =	vmor vm14, vm1;
	vm0 =	vmor vm15, vm0;
	vm14 =	veq.s32 v23, v3  }
0xed: {  	vm15 =	veq.s32 v54, v15;
	vm1 =	vmor vm5, vm1;
	vm0 =	vmor vm7, vm0  }
0xee: {  	v25 =	vld.idx.msk [tilespmem:v25+s20+$0x0], $0xffff;
	vm5 =	veq.s32 v23, v4;
	vm7 =	veq.s32 v54, v16;
	vm1 =	vmor vm6, vm1  }
0xef: {  	v28 =	vsel vm0, $0x0, v56;
	vm6 =	veq.s32 v23, v2;
	vm1 =	vmor vm8, vm1  }
0xf0: {  	v27 =	vadd.f32 v28, v27;
	vm8 =	veq.s32 v23, v1;
	vm10 =	vmor vm9, vm1  }
0xf1: {  	vm1 =	vmor vm13, vm14;
	vm9 =	veq.s32 v23, v6;
	vm13 =	veq.s32 v54, v18  }
0xf2: {  	vm14 =	veq.s32 v23, v9;
	vm0 =	vmor vm11, vm10;
	vm1 =	vmor vm5, vm1  }
0xf3: {  	vm10 =	veq.s32 v54, v17;
	vm11 =	veq.s32 v23, v7;
	vm5 =	veq.s32 v25, v9  }
0xf4: {  	vm0 =	vmor vm12, vm0;
	vm1 =	vmor vm6, vm1;
	vm12 =	veq.s32 v23, v8  }
0xf5: {  	vm6 =	veq.s32 v54, v19;
	vm0 =	vmor vm15, vm0;
	vm1 =	vmor vm8, vm1  }
0xf6: {  	vm15 =	veq.s32 v23, v10;
	vm8 =	veq.s32 v23, v36;
	vm0 =	vmor vm7, vm0  }
0xf7: {  	vm1 =	vmor vm9, vm1;
	vm7 =	veq.s32 v23, v33;
	vm9 =	veq.s32 v54, v51  }
0xf8: {  	v57 =	vld.idx.msk [tilespmem:v54+s21+$0x0], $0xffff;
	vm0 =	vmor vm10, vm0;
	vm1 =	vmor vm11, vm1;
	vm10 =	veq.s32 v23, v13  }
0xf9: {  	vm11 =	veq.s32 v23, v14;
	vm1 =	vmor vm12, vm1;
	vm0 =	vmor vm13, vm0  }
0xfa: {  	vm13 =	veq.s32 v23, v15;
	vm1 =	vmor vm14, vm1;
	vm0 =	vmor vm6, vm0  }
0xfb: {  	vm14 =	veq.s32 v25, v5;
	vm6 =	veq.s32 v23, v16;
	vm1 =	vmor vm15, vm1  }
0xfc: {  	vm0 =	vmor vm9, vm0;
	vm15 =	veq.s32 v25, v3;
	vm1 =	vmor vm7, vm1  }
0xfd: {  	vm9 =	veq.s32 v23, v17;
	v28 =	vsel vm0, $0x0, v57;
	vm1 =	vmor vm8, vm1  }
0xfe: {  	vm7 =	veq.s32 v25, v4;
	vm8 =	veq.s32 v25, v2;
	vm1 =	vmor vm10, vm1  }
0xff: {  	v27 =	vadd.f32 v28, v27;
	vm10 =	veq.s32 v25, v1;
	vm12 =	vmor vm11, vm1  }
0x100: {  	vm1 =	vmor vm14, vm15;
	vm11 =	veq.s32 v25, v6;
	vm14 =	veq.s32 v25, v8  }
0x101: {  	vm15 =	veq.s32 v23, v19;
	vm0 =	vmor vm13, vm12;
	vm1 =	vmor vm7, vm1  }
0x102: {  	v21 =	vld.idx.msk [tilespmem:v44+s20+$0x0], $0xffff;
	vm12 =	veq.s32 v23, v18;
	vm13 =	veq.s32 v25, v7;
	vm7 =	veq.s32 v23, v51  }
0x103: {  	vm0 =	vmor vm6, vm0;
	vm1 =	vmor vm8, vm1;
	vm6 =	veq.s32 v25, v10  }
0x104: {  	vm8 =	veq.s32 v25, v33;
	vm0 =	vmor vm9, vm0;
	vm1 =	vmor vm10, vm1  }
0x105: {  	vm9 =	veq.s32 v25, v36;
	vm10 =	veq.s32 v23, v54;
	vm1 =	vmor vm11, vm1  }
0x106: {  	v58 =	vld.idx.msk [tilespmem:v23+s21+$0x0], $0xffff;
	vm0 =	vmor vm12, vm0;
	vm11 =	veq.s32 v25, v13;
	vm12 =	veq.s32 v25, v14  }
0x107: {  	vm1 =	vmor vm13, vm1;
	vm0 =	vmor vm15, vm0;
	vm15 =	veq.s32 v21, v5  }
0x108: {  	vm1 =	vmor vm14, vm1;
	vm0 =	vmor vm7, vm0;
	vm14 =	veq.s32 v25, v15  }
0x109: {  	vm1 =	vmor vm5, vm1;
	vm0 =	vmor vm10, vm0;
	vm10 =	veq.s32 v21, v2  }
0x10a: {  	vm5 =	veq.s32 v21, v8;
	vm1 =	vmor vm6, vm1;
	vm6 =	veq.s32 v21, v3  }
0x10b: {  	v59 =	vsel vm0, $0x0, v58;
	vm1 =	vmor vm8, vm1;
	vm7 =	vmor vm15, vm6  }
0x10c: {  	vm8 =	veq.s32 v21, v4;
	vm15 =	veq.s32 v25, v18;
	vm1 =	vmor vm9, vm1  }
0x10d: {  	vm6 =	veq.s32 v21, v9;
	v27 =	vadd.f32 v59, v27;
	vm1 =	vmor vm11, vm1  }
0x10e: {  	vm9 =	veq.s32 v25, v16;
	vm11 =	veq.s32 v21, v1;
	vm13 =	vmor vm12, vm1  }
0x10f: {  	vm1 =	vmor vm8, vm7;
	vm12 =	veq.s32 v25, v17;
	vm7 =	veq.s32 v25, v19  }
0x110: {  	vm8 =	veq.s32 v21, v10;
	vm0 =	vmor vm14, vm13;
	vm1 =	vmor vm10, vm1  }
0x111: {  	vm13 =	veq.s32 v21, v6;
	vm14 =	veq.s32 v21, v7;
	vm10 =	veq.s32 v25, v51  }
0x112: {  	v26 =	vld.idx.msk [tilespmem:v47+s20+$0x0], $0xffff;
	vm0 =	vmor vm9, vm0;
	vm1 =	vmor vm11, vm1;
	vm9 =	veq.s32 v21, v33  }
0x113: {  	vm11 =	veq.s32 v21, v36;
	vm0 =	vmor vm12, vm0;
	vm1 =	vmor vm13, vm1  }
0x114: {  	vm12 =	veq.s32 v21, v13;
	vm13 =	veq.s32 v25, v54;
	vm1 =	vmor vm14, vm1  }
0x115: {  	vm0 =	vmor vm15, vm0;
	vm14 =	veq.s32 v21, v14;
	vm15 =	veq.s32 v21, v15  }
0x116: {  	v60 =	vld.idx.msk [tilespmem:v25+s21+$0x0], $0xffff;
	vm1 =	vmor vm5, vm1;
	vm0 =	vmor vm7, vm0;
	vm7 =	veq.s32 v21, v16  }
0x117: {  	vm5 =	veq.s32 v26, v2;
	vm1 =	vmor vm6, vm1;
	vm0 =	vmor vm10, vm0  }
0x118: {  	vm6 =	veq.s32 v25, v23;
	vm10 =	veq.s32 v21, v18;
	vm1 =	vmor vm8, vm1  }
0x119: {  	vm0 =	vmor vm13, vm0;
	vm8 =	veq.s32 v21, v17;
	vm1 =	vmor vm9, vm1  }
0x11a: {  	vm0 =	vmor vm6, vm0;
	vm6 =	veq.s32 v26, v1;
	vm1 =	vmor vm11, vm1  }
0x11b: {  	v61 =	vsel vm0, $0x0, v60;
	vm11 =	veq.s32 v26, v5;
	vm1 =	vmor vm12, vm1  }
0x11c: {  	vm12 =	veq.s32 v26, v3;
	v27 =	vadd.f32 v61, v27;
	vm1 =	vmor vm14, vm1  }
0x11d: {  	v24 =	vld.idx.msk [tilespmem:v49+s20+$0x0], $0xffff;
	vm13 =	vmor vm11, vm12;
	vm14 =	veq.s32 v26, v4;
	vm1 =	vmor vm15, vm1  }
0x11e: {  	vm11 =	veq.s32 v26, v8;
	vm12 =	veq.s32 v26, v9;
	vm1 =	vmor vm7, vm1  }
0x11f: {  	vm15 =	veq.s32 v21, v19;
	vm7 =	veq.s32 v21, v51;
	vm9 =	vmor vm8, vm1  }
0x120: {  	vm1 =	vmor vm14, vm13;
	vm8 =	veq.s32 v26, v6;
	vm13 =	veq.s32 v21, v23  }
0x121: {  	vm14 =	veq.s32 v26, v10;
	vm0 =	vmor vm10, vm9;
	vm1 =	vmor vm5, vm1  }
0x122: {  	vm9 =	veq.s32 v26, v7;
	vm10 =	veq.s32 v21, v54;
	vm5 =	veq.s32 v24, v2  }
0x123: {  	vm0 =	vmor vm15, vm0;
	vm1 =	vmor vm6, vm1;
	vm15 =	veq.s32 v26, v33  }
0x124: {  	v62 =	vld.idx.msk [tilespmem:v21+s21+$0x0], $0xffff;
	vm6 =	veq.s32 v21, v25;
	vm0 =	vmor vm7, vm0;
	vm1 =	vmor vm8, vm1  }
0x125: {  	vm7 =	veq.s32 v26, v36;
	vm8 =	veq.s32 v26, v13;
	vm1 =	vmor vm9, vm1  }
0x126: {  	vm0 =	vmor vm10, vm0;
	vm10 =	veq.s32 v26, v14;
	vm1 =	vmor vm11, vm1  }
0x127: {  	vm0 =	vmor vm13, vm0;
	vm11 =	veq.s32 v24, v5;
	vm1 =	vmor vm12, vm1  }
0x128: {  	vm0 =	vmor vm6, vm0;
	vm12 =	veq.s32 v24, v3;
	vm1 =	vmor vm14, vm1  }
0x129: {  	vm6 =	veq.s32 v24, v1;
	v63 =	vsel vm0, $0x0, v62;
	vm1 =	vmor vm15, vm1  }
0x12a: {  	vm13 =	vmor vm11, vm12;
	vm14 =	veq.s32 v24, v4;
	vm1 =	vmor vm7, vm1  }
0x12b: {  	vm11 =	veq.s32 v24, v8;
	vm9 =	vmor vm8, vm1;
	vm1 =	vmor vm14, vm13  }
0x12c: {  	vm12 =	veq.s32 v24, v9;
	vm15 =	veq.s32 v26, v15;
	vm1 =	vmor vm5, vm1  }
0x12d: {  	v3 =	vadd.f32 v63, v27;
	vm8 =	veq.s32 v24, v6;
	vm1 =	vmor vm6, vm1  }
0x12e: {  	vm0 =	vmor vm10, vm9;
	vm9 =	veq.s32 v24, v7;
	vm1 =	vmor vm8, vm1  }
0x12f: {  	vm7 =	veq.s32 v26, v16;
	vm13 =	veq.s32 v26, v18;
	vm1 =	vmor vm9, vm1  }
0x130: {  	vm14 =	veq.s32 v24, v10;
	vm10 =	veq.s32 v26, v17;
	vm1 =	vmor vm11, vm1  }
0x131: {  	vm5 =	veq.s32 v24, v18;
	vm0 =	vmor vm15, vm0;
	vm1 =	vmor vm12, vm1  }
0x132: {  	vm15 =	veq.s32 v24, v33;
	vm6 =	veq.s32 v26, v19;
	vm1 =	vmor vm14, vm1  }
0x133: {  	vm0 =	vmor vm7, vm0;
	vm7 =	veq.s32 v24, v36;
	vm1 =	vmor vm15, vm1  }
0x134: {  	vm8 =	veq.s32 v24, v13;
	vm0 =	vmor vm10, vm0;
	vm1 =	vmor vm7, vm1  }
0x135: {  	vm9 =	veq.s32 v26, v51;
	vm10 =	veq.s32 v24, v14;
	vm1 =	vmor vm8, vm1  }
0x136: {  	vm0 =	vmor vm13, vm0;
	vm11 =	veq.s32 v24, v15;
	vm1 =	vmor vm10, vm1  }
0x137: {  	vm13 =	veq.s32 v24, v16;
	vm0 =	vmor vm6, vm0;
	vm1 =	vmor vm11, vm1  }
0x138: {  	vm12 =	veq.s32 v26, v54;
	vm14 =	veq.s32 v24, v17;
	vm1 =	vmor vm13, vm1  }
0x139: {  	vm6 =	veq.s32 v24, v19;
	vm0 =	vmor vm9, vm0;
	vm1 =	vmor vm14, vm1  }
0x13a: {  	vm9 =	veq.s32 v24, v54;
	vm0 =	vmor vm12, vm0;
	vm1 =	vmor vm5, vm1  }
0x13b: {  	v1 =	vld.idx.msk [tilespmem:v26+s21+$0x0], $0xffff;
	vm15 =	veq.s32 v26, v23;
	vm8 =	veq.s32 v24, v51;
	vm1 =	vmor vm6, vm1  }
0x13c: {  	vm12 =	veq.s32 v24, v25;
	vm0 =	vmor vm15, vm0;
	vm1 =	vmor vm8, vm1  }
0x13d: {  	v2 =	vld.idx.msk [tilespmem:v24+s21+$0x0], $0xffff;
	vm7 =	veq.s32 v26, v25;
	vm11 =	veq.s32 v24, v23;
	vm1 =	vmor vm9, vm1  }
0x13e: {  	vm0 =	vmor vm7, vm0;
	vm10 =	veq.s32 v26, v21;
	vm1 =	vmor vm11, vm1  }
0x13f: {  	vm0 =	vmor vm10, vm0;
	vm13 =	veq.s32 v24, v21;
	vm1 =	vmor vm12, vm1  }
0x140: {  	p0 =	sne.s32 s28, $0x70;
	vm15 =	veq.s32 v24, v26;
	v1 =	vsel vm0, $0x0, v1;
	vm14 =	vmor vm13, vm1  }
.Ltmp0:
0x141: {  	v1 =	vadd.f32 v1, v3;
	vm0 =	vmor vm15, vm14;
	(pc) =	sbr.rel @p0 .LBB2_2-.Ltmp0, $3  }
0x142: {  	v2 =	vsel vm0, $0x0, v2  }
0x143: {  	v1 =	vadd.f32 v2, v1;
	_ =	sdelay $0x1  }
0x144: {  	s28 =	sadd.s32 $0x10, s28;
	[tilespmem:s26+$0x0] =	vst v1;
	s26 =	sadd.s32 $0x10, s26  }
0x145: {  	s26 =	simm.s32 $0x0  }
0x146: {  	[hbm4b:s7+s26] =	stream.linear.scatter [tilespmem:s22], [sflag:$0x3], $0x80, $0x38;
	[tilespmem:$0xF168] =	vst v63  }
0x147: {  	_ =	swait.ge [sflag:s10], $0x80  }
0x148: {  	[sflag:s10] =	ssyncset.done $0x0  }
0x149: {  	[sflag:s10] =	ssyncadd.s32 $0xFFFFFF80  }
0x14a: {  	_ =	swait.ge [sflag:s23], $0x800  }
0x14b: {  	[sflag:s23] =	ssyncset.done $0x0  }
0x14c: {  	s28 =	sadd.s32 $0x0, s9;
	s26 =	simm.s32 $0xD00;
	[sflag:s23] =	ssyncadd.s32 $0xFFFFF800  }
0x14d: {  	[hbm4b:s28+s2] =	stream.linear.scatter [tilespmem:s26], [sflag:$0x2], $0x800, $0x38;
	[tilespmem:$0xF168] =	vst v63  }
0x14e: {  	s28 =	simm.s32 $0x100  }
.LBB2_4:
0x14f: {  	_ =	swait.ge [sflag:s23], $0x800;
	p0 =	sne.s32 s28, $0x1900  }
.Ltmp1:
0x150: {  	(pc) =	sbr.rel @p0 .LBB2_4-.Ltmp1, $4  }
0x151: {  	_ = 	snop  }
0x152: {  	s29 =	sadd.s32 s28, s9;
	s26 =	sadd.s32 $0x800, s26;
	[sflag:s23] =	ssyncset.done $0x0  }
0x153: {  	s28 =	sadd.s32 $0x100, s28;
	[sflag:s23] =	ssyncadd.s32 $0xFFFFF800  }
0x154: {  	[hbm4b:s29+s2] =	stream.linear.scatter [tilespmem:s26], [sflag:$0x2], $0x800, $0x38;
	[tilespmem:$0xF168] =	vst v63  }
0x155: {  	_ =	swait.ge [sflag:s24], $0x800  }
0x156: {  	[sflag:s24] =	ssyncset.done $0x0  }
0x157: {  	[sflag:s24] =	ssyncadd.s32 $0xFFFFF800  }
0x158: {  	_ =	swait.ge [sflag:s24], $0x800  }
0x159: {  	[sflag:s24] =	ssyncset.done $0x0  }
0x15a: {  	[sflag:s24] =	ssyncadd.s32 $0xFFFFF800  }
0x15b: {  	_ =	swait.ge [sflag:s24], $0x800  }
0x15c: {  	[sflag:s24] =	ssyncset.done $0x0  }
0x15d: {  	[sflag:s24] =	ssyncadd.s32 $0xFFFFF800  }
0x15e: {  	_ =	swait.ge [sflag:s24], $0x800  }
0x15f: {  	[sflag:s24] =	ssyncset.done $0x0  }
0x160: {  	[sflag:s24] =	ssyncadd.s32 $0xFFFFF800  }
0x161: {  	_ =	swait.ge [sflag:s24], $0x800  }
0x162: {  	[sflag:s24] =	ssyncset.done $0x0  }
0x163: {  	[sflag:s24] =	ssyncadd.s32 $0xFFFFF800  }
0x164: {  	_ =	swait.ge [sflag:s24], $0x800  }
0x165: {  	[sflag:s24] =	ssyncset.done $0x0  }
0x166: {  	[sflag:s24] =	ssyncadd.s32 $0xFFFFF800  }
0x167: {  	_ =	swait.ge [sflag:s24], $0x800  }
0x168: {  	[sflag:s24] =	ssyncset.done $0x0  }
0x169: {  	[sflag:s24] =	ssyncadd.s32 $0xFFFFF800  }
0x16a: {  	_ =	swait.ge [sflag:s24], $0x800  }
0x16b: {  	[sflag:s24] =	ssyncset.done $0x0  }
0x16c: {  	[sflag:s24] =	ssyncadd.s32 $0xFFFFF800  }
0x16d: {  	_ =	swait.ge [sflag:s24], $0x800  }
0x16e: {  	[sflag:s24] =	ssyncset.done $0x0  }
0x16f: {  	[sflag:s24] =	ssyncadd.s32 $0xFFFFF800  }
0x170: {  	_ =	swait.ge [sflag:s24], $0x800  }
0x171: {  	[sflag:s24] =	ssyncset.done $0x0  }
0x172: {  	[sflag:s24] =	ssyncadd.s32 $0xFFFFF800  }
0x173: {  	_ =	swait.ge [sflag:s24], $0x800  }
0x174: {  	[sflag:s24] =	ssyncset.done $0x0  }
0x175: {  	[sflag:s24] =	ssyncadd.s32 $0xFFFFF800  }
0x176: {  	_ =	swait.ge [sflag:s24], $0x800  }
0x177: {  	[sflag:s24] =	ssyncset.done $0x0  }
0x178: {  	[sflag:s24] =	ssyncadd.s32 $0xFFFFF800  }
0x179: {  	_ =	swait.ge [sflag:s24], $0x800  }
0x17a: {  	[sflag:s24] =	ssyncset.done $0x0  }
0x17b: {  	[sflag:s24] =	ssyncadd.s32 $0xFFFFF800  }
0x17c: {  	_ =	swait.ge [sflag:s24], $0x800  }
0x17d: {  	[sflag:s24] =	ssyncset.done $0x0  }
0x17e: {  	[sflag:s24] =	ssyncadd.s32 $0xFFFFF800  }
0x17f: {  	_ =	swait.ge [sflag:s24], $0x800  }
0x180: {  	[sflag:s24] =	ssyncset.done $0x0  }
0x181: {  	[sflag:s24] =	ssyncadd.s32 $0xFFFFF800  }
0x182: {  	_ =	swait.ge [sflag:s24], $0x800  }
0x183: {  	[sflag:s24] =	ssyncset.done $0x0  }
0x184: {  	[sflag:s24] =	ssyncadd.s32 $0xFFFFF800  }
0x185: {  	_ =	swait.ge [sflag:s24], $0x800  }
0x186: {  	[sflag:s24] =	ssyncset.done $0x0  }
0x187: {  	[sflag:s24] =	ssyncadd.s32 $0xFFFFF800  }
0x188: {  	_ =	swait.ge [sflag:s24], $0x800  }
0x189: {  	[sflag:s24] =	ssyncset.done $0x0  }
0x18a: {  	[sflag:s24] =	ssyncadd.s32 $0xFFFFF800  }
0x18b: {  	_ =	swait.ge [sflag:s24], $0x800  }
0x18c: {  	[sflag:s24] =	ssyncset.done $0x0  }
0x18d: {  	[sflag:s24] =	ssyncadd.s32 $0xFFFFF800  }
0x18e: {  	_ =	swait.ge [sflag:s24], $0x800  }
0x18f: {  	[sflag:s24] =	ssyncset.done $0x0  }
0x190: {  	[sflag:s24] =	ssyncadd.s32 $0xFFFFF800  }
0x191: {  	_ =	swait.ge [sflag:s24], $0x800  }
0x192: {  	[sflag:s24] =	ssyncset.done $0x0  }
0x193: {  	[sflag:s24] =	ssyncadd.s32 $0xFFFFF800  }
0x194: {  	_ =	swait.ge [sflag:s24], $0x800  }
0x195: {  	[sflag:s24] =	ssyncset.done $0x0  }
0x196: {  	[sflag:s24] =	ssyncadd.s32 $0xFFFFF800  }
0x197: {  	_ =	swait.ge [sflag:s24], $0x800  }
0x198: {  	[sflag:s24] =	ssyncset.done $0x0  }
0x199: {  	[sflag:s24] =	ssyncadd.s32 $0xFFFFF800  }
0x19a: {  	_ =	swait.ge [sflag:s24], $0x800  }
0x19b: {  	[sflag:s24] =	ssyncset.done $0x0  }
0x19c: {  	s25 =	sadd.s32 $0x1, s25;
	[sflag:s24] =	ssyncadd.s32 $0xFFFFF800  }
0x19d: {  	p0 =	sne.s32 s25, s8;
	_ =	swait.ge [sflag:s24], $0x800  }
.Ltmp2:
0x19e: {  	[sflag:s24] =	ssyncset.done $0x0;
	(pc) =	sbr.rel @p0 .LBB2_1-.Ltmp2, $4  }
0x19f: {  	[sflag:s24] =	ssyncadd.s32 $0xFFFFF800  }
0x1a0: {  	_ =	swait.ge [sflag:s24], $0x800  }
0x1a1: {  	[sflag:s24] =	ssyncset.done $0x0  }
0x1a2: {  	[sflag:s24] =	ssyncadd.s32 $0xFFFFF800  }
0x1a3: {  	_ =	sfence.sel $0x180000  }
0x1a4: {  	[bflag:$0x0] =	sbarrier.arrive $0xFFFF  }
0x1a5: {  	_ =	strace $0x90000047  }
0x1a6: {  	s0 =	stileid.u32;
	[bflag:$0x2] =	sbarrier.arrive $0xFFFF  }
0x1a7: {  	p0 =	sne.s32 s0, $0x0;
	s0 =	rddreg [dreg:$0x2]  }
0x1a8: {  	s0 =	sadd.s32 @!p0 $0x100000, s0  }
0x1a9: {  	[sflag:s0] =	ssyncadd.tile.s32 @!p0 $0x1;
	_ =	shalt  }
.Lfunc_end2:
_tile_overlayer_lowered:
.L_overlay_start_2:
0x1aa: {  	(tag) =	ssettag $0x2  }
0x1ab: {  	s0 =	rddreg [dreg:$0x0];
	s2 =	stileid.u32  }
0x1ac: {  	s1 =	rddreg [dreg:$0x1];
	p0 =	sne.s32 s2, $0x0  }
0x1ad: {  	s3 =	rddreg [dreg:$0x2];
	[bflag:$0x3] =	sbarrier.arrive $0xFFFF;
	s2 =	simm.s32 @!p0 $0x1C03  }
0x1ae: {  	[timem:s3], [sflag:s2] =	dma.local @!p0 [hbm:s0], s1  }
0x1af: {  	s0 =	simm.s32 @!p0 $0x3  }
0x1b0: {  	_ =	swait.ge @!p0 [sflag:s0], s1  }
0x1b1: {  	s1 =	ssub.s32 @!p0 $0x0, s1;
	[sflag:s0] =	ssyncset.done @!p0 $0x0  }
0x1b2: {  	[sflag:s0] =	ssyncadd.s32 @!p0 s1  }
0x1b3: {  	[bflag:$0x3] =	sbarrier.arrive $0xFFFF  }
0x1b4: {  	_ =	shalt  }

</sc_bundles>
